<compile_context>
chip_gen: v7x
topology: tpu7x:2x2x1
jax: 0.10.2.dev20260603
libtpu: 0.0.44.dev20260713+nightly
codegen_flags: <defaults>
</compile_context>

<pallas_src>
import functools

import jax
import jax.numpy as jnp
from jax import lax
from jax.experimental import pallas as pl
from jax.experimental.pallas import tpu as pltpu
from jax.experimental.pallas import tpu_sc as plsc

_N, _D, _E, _G = 10000, 128, 320000, 64
_NP = 10240
_NC, _NS = 2, 16
_NW = _NC * _NS
_K = 120
_CH = 84
_EPT = _K * _CH
_EPAD = _EPT * _NW
_RPT = _NP // _NS
_BN = 1024


def _sc_agg(h, edges):
    mesh = plsc.VectorSubcoreMesh(core_axis_name="c", subcore_axis_name="s")

    @functools.partial(
        pl.kernel,
        out_type=jax.ShapeDtypeStruct((_NC * _NP, _D), jnp.float32),
        mesh=mesh,
        scratch_types=[
            [pltpu.VMEM((2, _K), jnp.int32) for _ in range(3)],
            [pltpu.VMEM((_K, _D), jnp.float32) for _ in range(3)],
            pltpu.VMEM_SHARED((_NP, _D), jnp.float32),
            [pltpu.SemaphoreType.DMA for _ in range(3)],
            [pltpu.SemaphoreType.DMA for _ in range(3)],
            [pltpu.SemaphoreType.DMA for _ in range(3)],
        ],
    )
    def k(h_hbm, e_hbm, out_hbm, ib, rv, acc_sh, sx, sg, ss):
        c = lax.axis_index("c")
        s = lax.axis_index("s")
        wid = c * _NS + s
        pltpu.sync_copy(h_hbm.at[pl.ds(s * _RPT, _RPT)],
                        acc_sh.at[pl.ds(s * _RPT, _RPT)])
        plsc.subcore_barrier()

        def wait_idx(k):
            pltpu.make_async_copy(e_hbm.at[0, 0], ib[k], sx[k]).wait()

        def wait_rows(k):
            pltpu.make_async_copy(h_hbm.at[pl.ds(0, _K)], rv[k], sg[k]).wait()

        def wait_scat(k):
            pltpu.make_async_copy(rv[k], acc_sh.at[pl.ds(0, _K)], ss[k]).wait()

        def start_idx(ci, k):
            pltpu.async_copy(e_hbm.at[ci, wid], ib[k], sx[k])

        def start_gather(k):
            pltpu.async_copy(h_hbm.at[ib[k].at[0]], rv[k], sg[k])

        def start_scat(k):
            pltpu.async_copy(rv[k], acc_sh.at[ib[k].at[1]], ss[k], add=True)

        start_idx(0, 0)
        start_idx(1, 1)
        wait_idx(0)
        start_gather(0)
        wait_idx(1)
        start_gather(1)

        def body(j, carry):
            b = 3 * j
            for m in range(3):
                k = m
                k2 = (m + 2) % 3
                wait_rows(k)
                start_scat(k)
                if m < 1:
                    @pl.when(j > 0)
                    def _():
                        wait_scat(k2)
                    start_idx(b + m + 2, k2)
                    wait_idx(k2)
                    start_gather(k2)
                else:
                    wait_scat(k2)

                    @pl.when(j < _CH // 3 - 1)
                    def _():
                        start_idx(b + m + 2, k2)
                        wait_idx(k2)
                        start_gather(k2)
            return carry

        lax.fori_loop(0, _CH // 3, body, 0)
        wait_scat(2)
        plsc.subcore_barrier()
        pltpu.sync_copy(acc_sh.at[pl.ds(s * _RPT, _RPT)],
                        out_hbm.at[pl.ds(c * _NP + s * _RPT, _RPT)])

    return k(h, edges)


def _mlp_body(scale_ref, h_ref, p0_ref, p1_ref, w1_ref, b1_ref, w2_ref, b2_ref):
    z = h_ref[...] * scale_ref[0, 0] + p0_ref[...] + p1_ref[...]
    y = jnp.dot(z, w1_ref[...], preferred_element_type=jnp.float32) + b1_ref[...]
    y = jnp.maximum(y, 0.0)
    return jnp.dot(y, w2_ref[...], preferred_element_type=jnp.float32) + b2_ref[...]


_ROW_SPECS = [
    pl.BlockSpec(memory_space=pltpu.SMEM),
    pl.BlockSpec((_BN, _D), lambda i: (i, 0)),
    pl.BlockSpec((_BN, _D), lambda i: (i, 0)),
    pl.BlockSpec((_BN, _D), lambda i: (i + _NP // _BN, 0)),
    pl.BlockSpec((_D, _D), lambda i: (0, 0)),
    pl.BlockSpec((1, _D), lambda i: (0, 0)),
    pl.BlockSpec((_D, _D), lambda i: (0, 0)),
    pl.BlockSpec((1, _D), lambda i: (0, 0)),
]


def _tc_mlp(h, p0, p1, scale, w1, b1, w2, b2):
    def body(scale_ref, h_ref, p0_ref, p1_ref, w1_ref, b1_ref, w2_ref, b2_ref,
             o_ref):
        o = _mlp_body(scale_ref, h_ref, p0_ref, p1_ref, w1_ref, b1_ref,
                      w2_ref, b2_ref)
        o_ref[...] = jnp.maximum(o, 0.0)

    return pl.pallas_call(
        body,
        grid=(_NP // _BN,),
        in_specs=_ROW_SPECS,
        out_specs=pl.BlockSpec((_BN, _D), lambda i: (i, 0)),
        out_shape=jax.ShapeDtypeStruct((_NP, _D), jnp.float32),
    )(scale, h, p0, p1, w1, b1, w2, b2)


def _tc_mlp_pool(h, p0, p1, scale, w1, b1, w2, b2, batm):
    def body(scale_ref, h_ref, p0_ref, p1_ref, w1_ref, b1_ref, w2_ref, b2_ref,
             bat_ref, o_ref):
        i = pl.program_id(0)
        o = _mlp_body(scale_ref, h_ref, p0_ref, p1_ref, w1_ref, b1_ref,
                      w2_ref, b2_ref)
        seg = bat_ref[0]
        gids = lax.broadcasted_iota(jnp.int32, (_G, _BN), 0)
        onehot = (gids == seg).astype(jnp.float32)
        part = jnp.dot(onehot, o, preferred_element_type=jnp.float32)

        @pl.when(i == 0)
        def _():
            o_ref[...] = jnp.zeros_like(o_ref)

        o_ref[...] += part

    return pl.pallas_call(
        body,
        grid=(_NP // _BN,),
        in_specs=_ROW_SPECS + [pl.BlockSpec((1, 1, _BN), lambda i: (i, 0, 0))],
        out_specs=pl.BlockSpec((_G, _D), lambda i: (0, 0)),
        out_shape=jax.ShapeDtypeStruct((_G, _D), jnp.float32),
    )(scale, h, p0, p1, w1, b1, w2, b2, batm)


def kernel(x, edge_index, batch, eps0, W1_0, b1_0, W2_0, b2_0,
           eps1, W1_1, b1_1, W2_1, b2_1, eps2, W1_2, b1_2, W2_2, b2_2):
    pad = _EPAD - _E
    srcp = jnp.concatenate(
        [edge_index[0], jnp.zeros((pad,), jnp.int32)]).reshape(_CH, _NW, _K)
    dump = _N + jnp.arange(pad, dtype=jnp.int32) % (_NP - _N)
    dstp = jnp.concatenate([edge_index[1], dump]).reshape(_CH, _NW, _K)
    edges = jnp.stack([srcp, dstp], axis=2)
    batm = jnp.concatenate(
        [batch, jnp.full((_NP - _N,), _G, jnp.int32)]).reshape(_NP // _BN, 1, _BN)

    h = jnp.pad(x, ((0, _NP - _N), (0, 0)))
    layers = [(eps0, W1_0, b1_0, W2_0, b2_0),
              (eps1, W1_1, b1_1, W2_1, b2_1),
              (eps2, W1_2, b1_2, W2_2, b2_2)]
    for l, (eps, w1, b1, w2, b2) in enumerate(layers):
        parts = _sc_agg(h, edges)
        scale = (eps - 1.0).reshape(1, 1)
        b1r, b2r = b1.reshape(1, _D), b2.reshape(1, _D)
        if l < 2:
            h = _tc_mlp(h, parts, parts, scale, w1, b1r, w2, b2r)
        else:
            return _tc_mlp_pool(h, parts, parts, scale, w1, b1r, w2, b2r, batm)

# --- scband reference (transcript-rebuilt; emitter-appended) ---
"""Pipeline reference for scband-ginmodel-28587302322182 (READ-ONLY COPY).

The authoritative reference and input builder live on the scoring server;
editing this copy changes nothing except your own understanding.
"""

import jax, jax.numpy as jnp
import numpy as np

N = 10000
E = 320000
D = 128
H = 128
OUT = 128
NUM_GRAPHS = 64


def setup_inputs(seed: int = 0) -> dict:
    key = jax.random.key(seed)
    ks = jax.random.split(key, 24)
    inp = {}
    inp["x"] = jax.random.normal(ks[0], (N, D), dtype=jnp.float32)
    inp["edge_index"] = jax.random.randint(ks[1], (2, E), 0, N, dtype=jnp.int32)
    inp["batch"] = jnp.sort(jax.random.randint(ks[2], (N,), 0, NUM_GRAPHS, dtype=jnp.int32))
    dims = [(D, H, H), (H, H, H), (H, H, OUT)]
    for l, (din, dh, dout) in enumerate(dims):
        inp[f"eps{l}"] = jnp.zeros((), dtype=jnp.float32)
        inp[f"W1_{l}"] = jax.random.normal(ks[3 + 4 * l], (din, dh), dtype=jnp.float32) * 0.05
        inp[f"b1_{l}"] = jnp.zeros((dh,), dtype=jnp.float32)
        inp[f"W2_{l}"] = jax.random.normal(ks[4 + 4 * l], (dh, dout), dtype=jnp.float32) * 0.05
        inp[f"b2_{l}"] = jnp.zeros((dout,), dtype=jnp.float32)
    return inp


def reference(x, edge_index, batch, eps0, W1_0, b1_0, W2_0, b2_0, eps1, W1_1, b1_1, W2_1, b2_1, eps2, W1_2, b1_2, W2_2, b2_2):
    src = edge_index[0]
    dst = edge_index[1]

    def gin_conv(h, eps, W1, b1, W2, b2):
        msg = jnp.take(h, src, axis=0)
        agg = jnp.zeros_like(h).at[dst].add(msg)
        z = (1.0 + eps) * h + agg
        z = jnp.maximum(z @ W1 + b1, 0.0)
        return z @ W2 + b2

    h = gin_conv(x, eps0, W1_0, b1_0, W2_0, b2_0)
    h = jnp.maximum(h, 0.0)
    h = gin_conv(h, eps1, W1_1, b1_1, W2_1, b2_1)
    h = jnp.maximum(h, 0.0)
    h = gin_conv(h, eps2, W1_2, b1_2, W2_2, b2_2)
    h_G = jax.ops.segment_sum(h, batch, num_segments=NUM_GRAPHS)
    return h_G

if __name__ == "__main__":
    import jax
    _d = setup_inputs()
    print(jax.jit(kernel)(*tuple(_d.values())))

</pallas_src>

<mosaic_0001>
#map = affine_map<(d0, d1) -> (0, 0)>
#map1 = affine_map<(d0, d1) -> (0, 0, 0, 0)>
module attributes {stable_mosaic.version = 14 : i64} {
  func.func @k(%arg0: i32, %arg1: i32, %arg2: memref<10240x128xf32, #tpu.memory_space<hbm>>, %arg3: memref<84x32x2x120xi32, #tpu.memory_space<hbm>>, %arg4: memref<20480x128xf32, #tpu.memory_space<hbm>>, %arg5: memref<2x120xi32, #tpu.memory_space<vmem>>, %arg6: memref<2x120xi32, #tpu.memory_space<vmem>>, %arg7: memref<2x120xi32, #tpu.memory_space<vmem>>, %arg8: memref<120x128xf32, #tpu.memory_space<vmem>>, %arg9: memref<120x128xf32, #tpu.memory_space<vmem>>, %arg10: memref<120x128xf32, #tpu.memory_space<vmem>>, %arg11: memref<10240x128xf32, #tpu.memory_space<vmem_shared>>, %arg12: memref<!tpu.dma_semaphore, #tpu.memory_space<semaphore_mem>>, %arg13: memref<!tpu.dma_semaphore, #tpu.memory_space<semaphore_mem>>, %arg14: memref<!tpu.dma_semaphore, #tpu.memory_space<semaphore_mem>>, %arg15: memref<!tpu.dma_semaphore, #tpu.memory_space<semaphore_mem>>, %arg16: memref<!tpu.dma_semaphore, #tpu.memory_space<semaphore_mem>>, %arg17: memref<!tpu.dma_semaphore, #tpu.memory_space<semaphore_mem>>, %arg18: memref<!tpu.dma_semaphore, #tpu.memory_space<semaphore_mem>>, %arg19: memref<!tpu.dma_semaphore, #tpu.memory_space<semaphore_mem>>, %arg20: memref<!tpu.dma_semaphore, #tpu.memory_space<semaphore_mem>>) attributes {dimension_semantics = [#tpu.dimension_semantics<core_parallel>, #tpu.dimension_semantics<subcore_parallel>], iteration_bounds = array<i64: 2, 16>, scalar_prefetch = 0 : i64, scratch_operands = 16 : i64, tpu.core_type = #tpu.core_type<sc_vector_subcore>, window_params = [{transform_indices = #map}, {transform_indices = #map1}, {transform_indices = #map}]} {
    %mul3A = arith.constant 16 : i32
    %mul3A_0 = arith.muli %arg0, %mul3A : i32
    %add3A = arith.addi %mul3A_0, %arg1 : i32
    %mul3A_1 = arith.constant 640 : i32
    %mul3A_2 = arith.muli %arg1, %mul3A_1 : i32
    %mul3A_3 = arith.constant 640 : i32
    %mul3A_4 = arith.muli %arg1, %mul3A_3 : i32
    "tpu.region"() ({
      %run_scoped3A = tpu.sem_alloc : memref<!tpu.dma_semaphore, #tpu.memory_space<semaphore_mem>>
      %dma_start3A_74 = arith.constant 0 : i32
      %dma_start3A_75 = tpu.memref_slice %arg11[%mul3A_4, %dma_start3A_74] : memref<10240x128xf32, #tpu.memory_space<vmem_shared>> -> memref<640x128xf32, #tpu.memory_space<vmem_shared>>
      %dma_start3A_76 = arith.constant 0 : i32
      %dma_start3A_77 = tpu.memref_slice %arg2[%mul3A_2, %dma_start3A_76] : memref<10240x128xf32, #tpu.memory_space<hbm>> -> memref<640x128xf32, #tpu.memory_space<hbm>>
      tpu.enqueue_dma source(%dma_start3A_77 : memref<640x128xf32, #tpu.memory_space<hbm>>) target(%dma_start3A_75 : memref<640x128xf32, #tpu.memory_space<vmem_shared>>) target_semaphore(%run_scoped3A : memref<!tpu.dma_semaphore, #tpu.memory_space<semaphore_mem>>)
      %dma_wait3A_78 = arith.constant 0 : i32
      %dma_wait3A_79 = tpu.memref_slice %arg11[%mul3A_4, %dma_wait3A_78] : memref<10240x128xf32, #tpu.memory_space<vmem_shared>> -> memref<640x128xf32, #tpu.memory_space<vmem_shared>>
      %dma_wait3A_80 = arith.constant 0 : i32
      %dma_wait3A_81 = tpu.memref_slice %arg2[%mul3A_2, %dma_wait3A_80] : memref<10240x128xf32, #tpu.memory_space<hbm>> -> memref<640x128xf32, #tpu.memory_space<hbm>>
      tpu.wait_dma2 semaphore(%run_scoped3A : memref<!tpu.dma_semaphore, #tpu.memory_space<semaphore_mem>>) src(%dma_wait3A_81 : memref<640x128xf32, #tpu.memory_space<hbm>>) dst(%dma_wait3A_79 : memref<640x128xf32, #tpu.memory_space<vmem_shared>>)
      tpu.yield
    }) : () -> ()
    %barrier3A = arith.constant 0 : index
    tpu.barrier barrier_id(%barrier3A)
    %dma_start3A = arith.constant 0 : i32
    %dma_start3A_5 = arith.constant 0 : i32
    %dma_start3A_6 = arith.constant 0 : i32
    %dma_start3A_7 = tpu.memref_slice %arg3[%dma_start3A, %add3A, %dma_start3A_5, %dma_start3A_6] : memref<84x32x2x120xi32, #tpu.memory_space<hbm>> -> memref<1x1x2x120xi32, #tpu.memory_space<hbm>>
    %dma_start3A_8 = tpu.memref_squeeze %dma_start3A_7 : memref<1x1x2x120xi32, #tpu.memory_space<hbm>> -> memref<2x120xi32, #tpu.memory_space<hbm>>
    %dma_start3A_9 = arith.constant 0 : i32
    %dma_start3A_10 = arith.constant 0 : i32
    %dma_start3A_11 = tpu.memref_slice %arg3[%dma_start3A, %add3A, %dma_start3A_9, %dma_start3A_10] : memref<84x32x2x120xi32, #tpu.memory_space<hbm>> -> memref<1x1x2x120xi32, #tpu.memory_space<hbm>>
    %dma_start3A_12 = tpu.memref_squeeze %dma_start3A_11 : memref<1x1x2x120xi32, #tpu.memory_space<hbm>> -> memref<2x120xi32, #tpu.memory_space<hbm>>
    tpu.enqueue_dma source(%dma_start3A_12 : memref<2x120xi32, #tpu.memory_space<hbm>>) target(%arg5 : memref<2x120xi32, #tpu.memory_space<vmem>>) target_semaphore(%arg12 : memref<!tpu.dma_semaphore, #tpu.memory_space<semaphore_mem>>)
    %dma_start3A_13 = arith.constant 1 : i32
    %dma_start3A_14 = arith.constant 0 : i32
    %dma_start3A_15 = arith.constant 0 : i32
    %dma_start3A_16 = tpu.memref_slice %arg3[%dma_start3A_13, %add3A, %dma_start3A_14, %dma_start3A_15] : memref<84x32x2x120xi32, #tpu.memory_space<hbm>> -> memref<1x1x2x120xi32, #tpu.memory_space<hbm>>
    %dma_start3A_17 = tpu.memref_squeeze %dma_start3A_16 : memref<1x1x2x120xi32, #tpu.memory_space<hbm>> -> memref<2x120xi32, #tpu.memory_space<hbm>>
    %dma_start3A_18 = arith.constant 0 : i32
    %dma_start3A_19 = arith.constant 0 : i32
    %dma_start3A_20 = tpu.memref_slice %arg3[%dma_start3A_13, %add3A, %dma_start3A_18, %dma_start3A_19] : memref<84x32x2x120xi32, #tpu.memory_space<hbm>> -> memref<1x1x2x120xi32, #tpu.memory_space<hbm>>
    %dma_start3A_21 = tpu.memref_squeeze %dma_start3A_20 : memref<1x1x2x120xi32, #tpu.memory_space<hbm>> -> memref<2x120xi32, #tpu.memory_space<hbm>>
    tpu.enqueue_dma source(%dma_start3A_21 : memref<2x120xi32, #tpu.memory_space<hbm>>) target(%arg6 : memref<2x120xi32, #tpu.memory_space<vmem>>) target_semaphore(%arg13 : memref<!tpu.dma_semaphore, #tpu.memory_space<semaphore_mem>>)
    %dma_wait3A = arith.constant 0 : i32
    %dma_wait3A_22 = arith.constant 0 : i32
    %dma_wait3A_23 = arith.constant 0 : i32
    %dma_wait3A_24 = arith.constant 0 : i32
    %dma_wait3A_25 = tpu.memref_slice %arg3[%dma_wait3A, %dma_wait3A_22, %dma_wait3A_23, %dma_wait3A_24] : memref<84x32x2x120xi32, #tpu.memory_space<hbm>> -> memref<1x1x2x120xi32, #tpu.memory_space<hbm>>
    %dma_wait3A_26 = tpu.memref_squeeze %dma_wait3A_25 : memref<1x1x2x120xi32, #tpu.memory_space<hbm>> -> memref<2x120xi32, #tpu.memory_space<hbm>>
    %dma_wait3A_27 = arith.constant 0 : i32
    %dma_wait3A_28 = arith.constant 0 : i32
    %dma_wait3A_29 = tpu.memref_slice %arg3[%dma_wait3A, %dma_wait3A_22, %dma_wait3A_27, %dma_wait3A_28] : memref<84x32x2x120xi32, #tpu.memory_space<hbm>> -> memref<1x1x2x120xi32, #tpu.memory_space<hbm>>
    %dma_wait3A_30 = tpu.memref_squeeze %dma_wait3A_29 : memref<1x1x2x120xi32, #tpu.memory_space<hbm>> -> memref<2x120xi32, #tpu.memory_space<hbm>>
    tpu.wait_dma2 semaphore(%arg12 : memref<!tpu.dma_semaphore, #tpu.memory_space<semaphore_mem>>) src(%dma_wait3A_30 : memref<2x120xi32, #tpu.memory_space<hbm>>) dst(%arg5 : memref<2x120xi32, #tpu.memory_space<vmem>>)
    %dma_start3A_31 = arith.constant 0 : i32
    %dma_start3A_32 = arith.constant 0 : i32
    %dma_start3A_33 = tpu.memref_slice %arg5[%dma_start3A_31, %dma_start3A_32] : memref<2x120xi32, #tpu.memory_space<vmem>> -> memref<1x120xi32, #tpu.memory_space<vmem>>
    %dma_start3A_34 = tpu.memref_squeeze %dma_start3A_33 : memref<1x120xi32, #tpu.memory_space<vmem>> -> memref<120xi32, #tpu.memory_space<vmem>>
    %dma_start3A_35 = arith.constant 0 : i32
    %dma_start3A_36 = arith.constant 0 : i32
    %dma_start3A_37 = tpu.memref_slice %arg2[%dma_start3A_35, %dma_start3A_36] : memref<10240x128xf32, #tpu.memory_space<hbm>> -> memref<10240x128xf32, #tpu.memory_space<hbm>>
    tpu.enqueue_indirect_dma source(%dma_start3A_37 : memref<10240x128xf32, #tpu.memory_space<hbm>>) target(%arg8 : memref<120x128xf32, #tpu.memory_space<vmem>>) offsets(%dma_start3A_34 : memref<120xi32, #tpu.memory_space<vmem>>) semaphore(%arg15 : memref<!tpu.dma_semaphore, #tpu.memory_space<semaphore_mem>>)
    %dma_wait3A_38 = arith.constant 0 : i32
    %dma_wait3A_39 = arith.constant 0 : i32
    %dma_wait3A_40 = arith.constant 0 : i32
    %dma_wait3A_41 = arith.constant 0 : i32
    %dma_wait3A_42 = tpu.memref_slice %arg3[%dma_wait3A_38, %dma_wait3A_39, %dma_wait3A_40, %dma_wait3A_41] : memref<84x32x2x120xi32, #tpu.memory_space<hbm>> -> memref<1x1x2x120xi32, #tpu.memory_space<hbm>>
    %dma_wait3A_43 = tpu.memref_squeeze %dma_wait3A_42 : memref<1x1x2x120xi32, #tpu.memory_space<hbm>> -> memref<2x120xi32, #tpu.memory_space<hbm>>
    %dma_wait3A_44 = arith.constant 0 : i32
    %dma_wait3A_45 = arith.constant 0 : i32
    %dma_wait3A_46 = tpu.memref_slice %arg3[%dma_wait3A_38, %dma_wait3A_39, %dma_wait3A_44, %dma_wait3A_45] : memref<84x32x2x120xi32, #tpu.memory_space<hbm>> -> memref<1x1x2x120xi32, #tpu.memory_space<hbm>>
    %dma_wait3A_47 = tpu.memref_squeeze %dma_wait3A_46 : memref<1x1x2x120xi32, #tpu.memory_space<hbm>> -> memref<2x120xi32, #tpu.memory_space<hbm>>
    tpu.wait_dma2 semaphore(%arg13 : memref<!tpu.dma_semaphore, #tpu.memory_space<semaphore_mem>>) src(%dma_wait3A_47 : memref<2x120xi32, #tpu.memory_space<hbm>>) dst(%arg6 : memref<2x120xi32, #tpu.memory_space<vmem>>)
    %dma_start3A_48 = arith.constant 0 : i32
    %dma_start3A_49 = arith.constant 0 : i32
    %dma_start3A_50 = tpu.memref_slice %arg6[%dma_start3A_48, %dma_start3A_49] : memref<2x120xi32, #tpu.memory_space<vmem>> -> memref<1x120xi32, #tpu.memory_space<vmem>>
    %dma_start3A_51 = tpu.memref_squeeze %dma_start3A_50 : memref<1x120xi32, #tpu.memory_space<vmem>> -> memref<120xi32, #tpu.memory_space<vmem>>
    %dma_start3A_52 = arith.constant 0 : i32
    %dma_start3A_53 = arith.constant 0 : i32
    %dma_start3A_54 = tpu.memref_slice %arg2[%dma_start3A_52, %dma_start3A_53] : memref<10240x128xf32, #tpu.memory_space<hbm>> -> memref<10240x128xf32, #tpu.memory_space<hbm>>
    tpu.enqueue_indirect_dma source(%dma_start3A_54 : memref<10240x128xf32, #tpu.memory_space<hbm>>) target(%arg9 : memref<120x128xf32, #tpu.memory_space<vmem>>) offsets(%dma_start3A_51 : memref<120xi32, #tpu.memory_space<vmem>>) semaphore(%arg16 : memref<!tpu.dma_semaphore, #tpu.memory_space<semaphore_mem>>)
    %scan3A = arith.constant 0 : i32
    %scan3A_55 = arith.constant 0 : i32
    %scan3A_56 = arith.constant 28 : i32
    %scan3A_57 = arith.addi %scan3A_55, %scan3A_56 : i32
    %scan3A_58 = arith.constant 1 : i32
    scf.for %scan3A_74 = %scan3A_55 to %scan3A_57 step %scan3A_58  : i32 {
      %mul3A_75 = arith.constant 3 : i32
      %mul3A_76 = arith.muli %mul3A_75, %scan3A_74 : i32
      %dma_wait3A_77 = arith.constant 0 : i32
      %dma_wait3A_78 = arith.constant 0 : i32
      %dma_wait3A_79 = tpu.memref_slice %arg2[%dma_wait3A_77, %dma_wait3A_78] : memref<10240x128xf32, #tpu.memory_space<hbm>> -> memref<120x128xf32, #tpu.memory_space<hbm>>
      %dma_wait3A_80 = arith.constant 0 : i32
      %dma_wait3A_81 = arith.constant 0 : i32
      %dma_wait3A_82 = tpu.memref_slice %arg2[%dma_wait3A_80, %dma_wait3A_81] : memref<10240x128xf32, #tpu.memory_space<hbm>> -> memref<120x128xf32, #tpu.memory_space<hbm>>
      tpu.wait_dma2 semaphore(%arg15 : memref<!tpu.dma_semaphore, #tpu.memory_space<semaphore_mem>>) src(%dma_wait3A_82 : memref<120x128xf32, #tpu.memory_space<hbm>>) dst(%arg8 : memref<120x128xf32, #tpu.memory_space<vmem>>)
      %dma_start3A_83 = arith.constant 1 : i32
      %dma_start3A_84 = arith.constant 0 : i32
      %dma_start3A_85 = tpu.memref_slice %arg5[%dma_start3A_83, %dma_start3A_84] : memref<2x120xi32, #tpu.memory_space<vmem>> -> memref<1x120xi32, #tpu.memory_space<vmem>>
      %dma_start3A_86 = tpu.memref_squeeze %dma_start3A_85 : memref<1x120xi32, #tpu.memory_space<vmem>> -> memref<120xi32, #tpu.memory_space<vmem>>
      %dma_start3A_87 = arith.constant 0 : i32
      %dma_start3A_88 = arith.constant 0 : i32
      %dma_start3A_89 = tpu.memref_slice %arg11[%dma_start3A_87, %dma_start3A_88] : memref<10240x128xf32, #tpu.memory_space<vmem_shared>> -> memref<10240x128xf32, #tpu.memory_space<vmem_shared>>
      tpu.enqueue_indirect_dma source(%arg8 : memref<120x128xf32, #tpu.memory_space<vmem>>) target(%dma_start3A_89 : memref<10240x128xf32, #tpu.memory_space<vmem_shared>>) offsets(%dma_start3A_86 : memref<120xi32, #tpu.memory_space<vmem>>) semaphore(%arg18 : memref<!tpu.dma_semaphore, #tpu.memory_space<semaphore_mem>>) {add = true}
      %gt3A = arith.constant 0 : i32
      %gt3A_90 = arith.cmpi sgt, %scan3A_74, %gt3A : i32
      %convert_element_type3A = arith.extui %gt3A_90 : i1 to i32
      %cond3A = arith.constant 0 : i32
      %cond3A_91 = arith.cmpi ne, %convert_element_type3A, %cond3A : i32
      scf.if %cond3A_91 {
        %dma_wait3A_168 = arith.constant 0 : i32
        %dma_wait3A_169 = arith.constant 0 : i32
        %dma_wait3A_170 = tpu.memref_slice %arg11[%dma_wait3A_168, %dma_wait3A_169] : memref<10240x128xf32, #tpu.memory_space<vmem_shared>> -> memref<120x128xf32, #tpu.memory_space<vmem_shared>>
        %dma_wait3A_171 = arith.constant 0 : i32
        %dma_wait3A_172 = arith.constant 0 : i32
        %dma_wait3A_173 = tpu.memref_slice %arg11[%dma_wait3A_171, %dma_wait3A_172] : memref<10240x128xf32, #tpu.memory_space<vmem_shared>> -> memref<120x128xf32, #tpu.memory_space<vmem_shared>>
        tpu.wait_dma2 semaphore(%arg20 : memref<!tpu.dma_semaphore, #tpu.memory_space<semaphore_mem>>) src(%arg10 : memref<120x128xf32, #tpu.memory_space<vmem>>) dst(%dma_wait3A_173 : memref<120x128xf32, #tpu.memory_space<vmem_shared>>)
      } else {
      }
      %add3A_92 = arith.constant 0 : i32
      %add3A_93 = arith.addi %mul3A_76, %add3A_92 : i32
      %add3A_94 = arith.constant 2 : i32
      %add3A_95 = arith.addi %add3A_93, %add3A_94 : i32
      %dma_start3A_96 = arith.constant 0 : i32
      %dma_start3A_97 = arith.constant 0 : i32
      %dma_start3A_98 = tpu.memref_slice %arg3[%add3A_95, %add3A, %dma_start3A_96, %dma_start3A_97] : memref<84x32x2x120xi32, #tpu.memory_space<hbm>> -> memref<1x1x2x120xi32, #tpu.memory_space<hbm>>
      %dma_start3A_99 = tpu.memref_squeeze %dma_start3A_98 : memref<1x1x2x120xi32, #tpu.memory_space<hbm>> -> memref<2x120xi32, #tpu.memory_space<hbm>>
      %dma_start3A_100 = arith.constant 0 : i32
      %dma_start3A_101 = arith.constant 0 : i32
      %dma_start3A_102 = tpu.memref_slice %arg3[%add3A_95, %add3A, %dma_start3A_100, %dma_start3A_101] : memref<84x32x2x120xi32, #tpu.memory_space<hbm>> -> memref<1x1x2x120xi32, #tpu.memory_space<hbm>>
      %dma_start3A_103 = tpu.memref_squeeze %dma_start3A_102 : memref<1x1x2x120xi32, #tpu.memory_space<hbm>> -> memref<2x120xi32, #tpu.memory_space<hbm>>
      tpu.enqueue_dma source(%dma_start3A_103 : memref<2x120xi32, #tpu.memory_space<hbm>>) target(%arg7 : memref<2x120xi32, #tpu.memory_space<vmem>>) target_semaphore(%arg14 : memref<!tpu.dma_semaphore, #tpu.memory_space<semaphore_mem>>)
      %dma_wait3A_104 = arith.constant 0 : i32
      %dma_wait3A_105 = arith.constant 0 : i32
      %dma_wait3A_106 = arith.constant 0 : i32
      %dma_wait3A_107 = arith.constant 0 : i32
      %dma_wait3A_108 = tpu.memref_slice %arg3[%dma_wait3A_104, %dma_wait3A_105, %dma_wait3A_106, %dma_wait3A_107] : memref<84x32x2x120xi32, #tpu.memory_space<hbm>> -> memref<1x1x2x120xi32, #tpu.memory_space<hbm>>
      %dma_wait3A_109 = tpu.memref_squeeze %dma_wait3A_108 : memref<1x1x2x120xi32, #tpu.memory_space<hbm>> -> memref<2x120xi32, #tpu.memory_space<hbm>>
      %dma_wait3A_110 = arith.constant 0 : i32
      %dma_wait3A_111 = arith.constant 0 : i32
      %dma_wait3A_112 = tpu.memref_slice %arg3[%dma_wait3A_104, %dma_wait3A_105, %dma_wait3A_110, %dma_wait3A_111] : memref<84x32x2x120xi32, #tpu.memory_space<hbm>> -> memref<1x1x2x120xi32, #tpu.memory_space<hbm>>
      %dma_wait3A_113 = tpu.memref_squeeze %dma_wait3A_112 : memref<1x1x2x120xi32, #tpu.memory_space<hbm>> -> memref<2x120xi32, #tpu.memory_space<hbm>>
      tpu.wait_dma2 semaphore(%arg14 : memref<!tpu.dma_semaphore, #tpu.memory_space<semaphore_mem>>) src(%dma_wait3A_113 : memref<2x120xi32, #tpu.memory_space<hbm>>) dst(%arg7 : memref<2x120xi32, #tpu.memory_space<vmem>>)
      %dma_start3A_114 = arith.constant 0 : i32
      %dma_start3A_115 = arith.constant 0 : i32
      %dma_start3A_116 = tpu.memref_slice %arg7[%dma_start3A_114, %dma_start3A_115] : memref<2x120xi32, #tpu.memory_space<vmem>> -> memref<1x120xi32, #tpu.memory_space<vmem>>
      %dma_start3A_117 = tpu.memref_squeeze %dma_start3A_116 : memref<1x120xi32, #tpu.memory_space<vmem>> -> memref<120xi32, #tpu.memory_space<vmem>>
      %dma_start3A_118 = arith.constant 0 : i32
      %dma_start3A_119 = arith.constant 0 : i32
      %dma_start3A_120 = tpu.memref_slice %arg2[%dma_start3A_118, %dma_start3A_119] : memref<10240x128xf32, #tpu.memory_space<hbm>> -> memref<10240x128xf32, #tpu.memory_space<hbm>>
      tpu.enqueue_indirect_dma source(%dma_start3A_120 : memref<10240x128xf32, #tpu.memory_space<hbm>>) target(%arg10 : memref<120x128xf32, #tpu.memory_space<vmem>>) offsets(%dma_start3A_117 : memref<120xi32, #tpu.memory_space<vmem>>) semaphore(%arg17 : memref<!tpu.dma_semaphore, #tpu.memory_space<semaphore_mem>>)
      %dma_wait3A_121 = arith.constant 0 : i32
      %dma_wait3A_122 = arith.constant 0 : i32
      %dma_wait3A_123 = tpu.memref_slice %arg2[%dma_wait3A_121, %dma_wait3A_122] : memref<10240x128xf32, #tpu.memory_space<hbm>> -> memref<120x128xf32, #tpu.memory_space<hbm>>
      %dma_wait3A_124 = arith.constant 0 : i32
      %dma_wait3A_125 = arith.constant 0 : i32
      %dma_wait3A_126 = tpu.memref_slice %arg2[%dma_wait3A_124, %dma_wait3A_125] : memref<10240x128xf32, #tpu.memory_space<hbm>> -> memref<120x128xf32, #tpu.memory_space<hbm>>
      tpu.wait_dma2 semaphore(%arg16 : memref<!tpu.dma_semaphore, #tpu.memory_space<semaphore_mem>>) src(%dma_wait3A_126 : memref<120x128xf32, #tpu.memory_space<hbm>>) dst(%arg9 : memref<120x128xf32, #tpu.memory_space<vmem>>)
      %dma_start3A_127 = arith.constant 1 : i32
      %dma_start3A_128 = arith.constant 0 : i32
      %dma_start3A_129 = tpu.memref_slice %arg6[%dma_start3A_127, %dma_start3A_128] : memref<2x120xi32, #tpu.memory_space<vmem>> -> memref<1x120xi32, #tpu.memory_space<vmem>>
      %dma_start3A_130 = tpu.memref_squeeze %dma_start3A_129 : memref<1x120xi32, #tpu.memory_space<vmem>> -> memref<120xi32, #tpu.memory_space<vmem>>
      %dma_start3A_131 = arith.constant 0 : i32
      %dma_start3A_132 = arith.constant 0 : i32
      %dma_start3A_133 = tpu.memref_slice %arg11[%dma_start3A_131, %dma_start3A_132] : memref<10240x128xf32, #tpu.memory_space<vmem_shared>> -> memref<10240x128xf32, #tpu.memory_space<vmem_shared>>
      tpu.enqueue_indirect_dma source(%arg9 : memref<120x128xf32, #tpu.memory_space<vmem>>) target(%dma_start3A_133 : memref<10240x128xf32, #tpu.memory_space<vmem_shared>>) offsets(%dma_start3A_130 : memref<120xi32, #tpu.memory_space<vmem>>) semaphore(%arg19 : memref<!tpu.dma_semaphore, #tpu.memory_space<semaphore_mem>>) {add = true}
      %dma_wait3A_134 = arith.constant 0 : i32
      %dma_wait3A_135 = arith.constant 0 : i32
      %dma_wait3A_136 = tpu.memref_slice %arg11[%dma_wait3A_134, %dma_wait3A_135] : memref<10240x128xf32, #tpu.memory_space<vmem_shared>> -> memref<120x128xf32, #tpu.memory_space<vmem_shared>>
      %dma_wait3A_137 = arith.constant 0 : i32
      %dma_wait3A_138 = arith.constant 0 : i32
      %dma_wait3A_139 = tpu.memref_slice %arg11[%dma_wait3A_137, %dma_wait3A_138] : memref<10240x128xf32, #tpu.memory_space<vmem_shared>> -> memref<120x128xf32, #tpu.memory_space<vmem_shared>>
      tpu.wait_dma2 semaphore(%arg18 : memref<!tpu.dma_semaphore, #tpu.memory_space<semaphore_mem>>) src(%arg8 : memref<120x128xf32, #tpu.memory_space<vmem>>) dst(%dma_wait3A_139 : memref<120x128xf32, #tpu.memory_space<vmem_shared>>)
      %lt3A = arith.constant 27 : i32
      %lt3A_140 = arith.cmpi slt, %scan3A_74, %lt3A : i32
      %convert_element_type3A_141 = arith.extui %lt3A_140 : i1 to i32
      %cond3A_142 = arith.constant 0 : i32
      %cond3A_143 = arith.cmpi ne, %convert_element_type3A_141, %cond3A_142 : i32
      scf.if %cond3A_143 {
        %add3A_168 = arith.constant 1 : i32
        %add3A_169 = arith.addi %mul3A_76, %add3A_168 : i32
        %add3A_170 = arith.constant 2 : i32
        %add3A_171 = arith.addi %add3A_169, %add3A_170 : i32
        %dma_start3A_172 = arith.constant 0 : i32
        %dma_start3A_173 = arith.constant 0 : i32
        %dma_start3A_174 = tpu.memref_slice %arg3[%add3A_171, %add3A, %dma_start3A_172, %dma_start3A_173] : memref<84x32x2x120xi32, #tpu.memory_space<hbm>> -> memref<1x1x2x120xi32, #tpu.memory_space<hbm>>
        %dma_start3A_175 = tpu.memref_squeeze %dma_start3A_174 : memref<1x1x2x120xi32, #tpu.memory_space<hbm>> -> memref<2x120xi32, #tpu.memory_space<hbm>>
        %dma_start3A_176 = arith.constant 0 : i32
        %dma_start3A_177 = arith.constant 0 : i32
        %dma_start3A_178 = tpu.memref_slice %arg3[%add3A_171, %add3A, %dma_start3A_176, %dma_start3A_177] : memref<84x32x2x120xi32, #tpu.memory_space<hbm>> -> memref<1x1x2x120xi32, #tpu.memory_space<hbm>>
        %dma_start3A_179 = tpu.memref_squeeze %dma_start3A_178 : memref<1x1x2x120xi32, #tpu.memory_space<hbm>> -> memref<2x120xi32, #tpu.memory_space<hbm>>
        tpu.enqueue_dma source(%dma_start3A_179 : memref<2x120xi32, #tpu.memory_space<hbm>>) target(%arg5 : memref<2x120xi32, #tpu.memory_space<vmem>>) target_semaphore(%arg12 : memref<!tpu.dma_semaphore, #tpu.memory_space<semaphore_mem>>)
        %dma_wait3A_180 = arith.constant 0 : i32
        %dma_wait3A_181 = arith.constant 0 : i32
        %dma_wait3A_182 = arith.constant 0 : i32
        %dma_wait3A_183 = arith.constant 0 : i32
        %dma_wait3A_184 = tpu.memref_slice %arg3[%dma_wait3A_180, %dma_wait3A_181, %dma_wait3A_182, %dma_wait3A_183] : memref<84x32x2x120xi32, #tpu.memory_space<hbm>> -> memref<1x1x2x120xi32, #tpu.memory_space<hbm>>
        %dma_wait3A_185 = tpu.memref_squeeze %dma_wait3A_184 : memref<1x1x2x120xi32, #tpu.memory_space<hbm>> -> memref<2x120xi32, #tpu.memory_space<hbm>>
        %dma_wait3A_186 = arith.constant 0 : i32
        %dma_wait3A_187 = arith.constant 0 : i32
        %dma_wait3A_188 = tpu.memref_slice %arg3[%dma_wait3A_180, %dma_wait3A_181, %dma_wait3A_186, %dma_wait3A_187] : memref<84x32x2x120xi32, #tpu.memory_space<hbm>> -> memref<1x1x2x120xi32, #tpu.memory_space<hbm>>
        %dma_wait3A_189 = tpu.memref_squeeze %dma_wait3A_188 : memref<1x1x2x120xi32, #tpu.memory_space<hbm>> -> memref<2x120xi32, #tpu.memory_space<hbm>>
        tpu.wait_dma2 semaphore(%arg12 : memref<!tpu.dma_semaphore, #tpu.memory_space<semaphore_mem>>) src(%dma_wait3A_189 : memref<2x120xi32, #tpu.memory_space<hbm>>) dst(%arg5 : memref<2x120xi32, #tpu.memory_space<vmem>>)
        %dma_start3A_190 = arith.constant 0 : i32
        %dma_start3A_191 = arith.constant 0 : i32
        %dma_start3A_192 = tpu.memref_slice %arg5[%dma_start3A_190, %dma_start3A_191] : memref<2x120xi32, #tpu.memory_space<vmem>> -> memref<1x120xi32, #tpu.memory_space<vmem>>
        %dma_start3A_193 = tpu.memref_squeeze %dma_start3A_192 : memref<1x120xi32, #tpu.memory_space<vmem>> -> memref<120xi32, #tpu.memory_space<vmem>>
        %dma_start3A_194 = arith.constant 0 : i32
        %dma_start3A_195 = arith.constant 0 : i32
        %dma_start3A_196 = tpu.memref_slice %arg2[%dma_start3A_194, %dma_start3A_195] : memref<10240x128xf32, #tpu.memory_space<hbm>> -> memref<10240x128xf32, #tpu.memory_space<hbm>>
        tpu.enqueue_indirect_dma source(%dma_start3A_196 : memref<10240x128xf32, #tpu.memory_space<hbm>>) target(%arg8 : memref<120x128xf32, #tpu.memory_space<vmem>>) offsets(%dma_start3A_193 : memref<120xi32, #tpu.memory_space<vmem>>) semaphore(%arg15 : memref<!tpu.dma_semaphore, #tpu.memory_space<semaphore_mem>>)
      } else {
      }
      %dma_wait3A_144 = arith.constant 0 : i32
      %dma_wait3A_145 = arith.constant 0 : i32
      %dma_wait3A_146 = tpu.memref_slice %arg2[%dma_wait3A_144, %dma_wait3A_145] : memref<10240x128xf32, #tpu.memory_space<hbm>> -> memref<120x128xf32, #tpu.memory_space<hbm>>
      %dma_wait3A_147 = arith.constant 0 : i32
      %dma_wait3A_148 = arith.constant 0 : i32
      %dma_wait3A_149 = tpu.memref_slice %arg2[%dma_wait3A_147, %dma_wait3A_148] : memref<10240x128xf32, #tpu.memory_space<hbm>> -> memref<120x128xf32, #tpu.memory_space<hbm>>
      tpu.wait_dma2 semaphore(%arg17 : memref<!tpu.dma_semaphore, #tpu.memory_space<semaphore_mem>>) src(%dma_wait3A_149 : memref<120x128xf32, #tpu.memory_space<hbm>>) dst(%arg10 : memref<120x128xf32, #tpu.memory_space<vmem>>)
      %dma_start3A_150 = arith.constant 1 : i32
      %dma_start3A_151 = arith.constant 0 : i32
      %dma_start3A_152 = tpu.memref_slice %arg7[%dma_start3A_150, %dma_start3A_151] : memref<2x120xi32, #tpu.memory_space<vmem>> -> memref<1x120xi32, #tpu.memory_space<vmem>>
      %dma_start3A_153 = tpu.memref_squeeze %dma_start3A_152 : memref<1x120xi32, #tpu.memory_space<vmem>> -> memref<120xi32, #tpu.memory_space<vmem>>
      %dma_start3A_154 = arith.constant 0 : i32
      %dma_start3A_155 = arith.constant 0 : i32
      %dma_start3A_156 = tpu.memref_slice %arg11[%dma_start3A_154, %dma_start3A_155] : memref<10240x128xf32, #tpu.memory_space<vmem_shared>> -> memref<10240x128xf32, #tpu.memory_space<vmem_shared>>
      tpu.enqueue_indirect_dma source(%arg10 : memref<120x128xf32, #tpu.memory_space<vmem>>) target(%dma_start3A_156 : memref<10240x128xf32, #tpu.memory_space<vmem_shared>>) offsets(%dma_start3A_153 : memref<120xi32, #tpu.memory_space<vmem>>) semaphore(%arg20 : memref<!tpu.dma_semaphore, #tpu.memory_space<semaphore_mem>>) {add = true}
      %dma_wait3A_157 = arith.constant 0 : i32
      %dma_wait3A_158 = arith.constant 0 : i32
      %dma_wait3A_159 = tpu.memref_slice %arg11[%dma_wait3A_157, %dma_wait3A_158] : memref<10240x128xf32, #tpu.memory_space<vmem_shared>> -> memref<120x128xf32, #tpu.memory_space<vmem_shared>>
      %dma_wait3A_160 = arith.constant 0 : i32
      %dma_wait3A_161 = arith.constant 0 : i32
      %dma_wait3A_162 = tpu.memref_slice %arg11[%dma_wait3A_160, %dma_wait3A_161] : memref<10240x128xf32, #tpu.memory_space<vmem_shared>> -> memref<120x128xf32, #tpu.memory_space<vmem_shared>>
      tpu.wait_dma2 semaphore(%arg19 : memref<!tpu.dma_semaphore, #tpu.memory_space<semaphore_mem>>) src(%arg9 : memref<120x128xf32, #tpu.memory_space<vmem>>) dst(%dma_wait3A_162 : memref<120x128xf32, #tpu.memory_space<vmem_shared>>)
      %lt3A_163 = arith.constant 27 : i32
      %lt3A_164 = arith.cmpi slt, %scan3A_74, %lt3A_163 : i32
      %convert_element_type3A_165 = arith.extui %lt3A_164 : i1 to i32
      %cond3A_166 = arith.constant 0 : i32
      %cond3A_167 = arith.cmpi ne, %convert_element_type3A_165, %cond3A_166 : i32
      scf.if %cond3A_167 {
        %add3A_168 = arith.constant 2 : i32
        %add3A_169 = arith.addi %mul3A_76, %add3A_168 : i32
        %add3A_170 = arith.constant 2 : i32
        %add3A_171 = arith.addi %add3A_169, %add3A_170 : i32
        %dma_start3A_172 = arith.constant 0 : i32
        %dma_start3A_173 = arith.constant 0 : i32
        %dma_start3A_174 = tpu.memref_slice %arg3[%add3A_171, %add3A, %dma_start3A_172, %dma_start3A_173] : memref<84x32x2x120xi32, #tpu.memory_space<hbm>> -> memref<1x1x2x120xi32, #tpu.memory_space<hbm>>
        %dma_start3A_175 = tpu.memref_squeeze %dma_start3A_174 : memref<1x1x2x120xi32, #tpu.memory_space<hbm>> -> memref<2x120xi32, #tpu.memory_space<hbm>>
        %dma_start3A_176 = arith.constant 0 : i32
        %dma_start3A_177 = arith.constant 0 : i32
        %dma_start3A_178 = tpu.memref_slice %arg3[%add3A_171, %add3A, %dma_start3A_176, %dma_start3A_177] : memref<84x32x2x120xi32, #tpu.memory_space<hbm>> -> memref<1x1x2x120xi32, #tpu.memory_space<hbm>>
        %dma_start3A_179 = tpu.memref_squeeze %dma_start3A_178 : memref<1x1x2x120xi32, #tpu.memory_space<hbm>> -> memref<2x120xi32, #tpu.memory_space<hbm>>
        tpu.enqueue_dma source(%dma_start3A_179 : memref<2x120xi32, #tpu.memory_space<hbm>>) target(%arg6 : memref<2x120xi32, #tpu.memory_space<vmem>>) target_semaphore(%arg13 : memref<!tpu.dma_semaphore, #tpu.memory_space<semaphore_mem>>)
        %dma_wait3A_180 = arith.constant 0 : i32
        %dma_wait3A_181 = arith.constant 0 : i32
        %dma_wait3A_182 = arith.constant 0 : i32
        %dma_wait3A_183 = arith.constant 0 : i32
        %dma_wait3A_184 = tpu.memref_slice %arg3[%dma_wait3A_180, %dma_wait3A_181, %dma_wait3A_182, %dma_wait3A_183] : memref<84x32x2x120xi32, #tpu.memory_space<hbm>> -> memref<1x1x2x120xi32, #tpu.memory_space<hbm>>
        %dma_wait3A_185 = tpu.memref_squeeze %dma_wait3A_184 : memref<1x1x2x120xi32, #tpu.memory_space<hbm>> -> memref<2x120xi32, #tpu.memory_space<hbm>>
        %dma_wait3A_186 = arith.constant 0 : i32
        %dma_wait3A_187 = arith.constant 0 : i32
        %dma_wait3A_188 = tpu.memref_slice %arg3[%dma_wait3A_180, %dma_wait3A_181, %dma_wait3A_186, %dma_wait3A_187] : memref<84x32x2x120xi32, #tpu.memory_space<hbm>> -> memref<1x1x2x120xi32, #tpu.memory_space<hbm>>
        %dma_wait3A_189 = tpu.memref_squeeze %dma_wait3A_188 : memref<1x1x2x120xi32, #tpu.memory_space<hbm>> -> memref<2x120xi32, #tpu.memory_space<hbm>>
        tpu.wait_dma2 semaphore(%arg13 : memref<!tpu.dma_semaphore, #tpu.memory_space<semaphore_mem>>) src(%dma_wait3A_189 : memref<2x120xi32, #tpu.memory_space<hbm>>) dst(%arg6 : memref<2x120xi32, #tpu.memory_space<vmem>>)
        %dma_start3A_190 = arith.constant 0 : i32
        %dma_start3A_191 = arith.constant 0 : i32
        %dma_start3A_192 = tpu.memref_slice %arg6[%dma_start3A_190, %dma_start3A_191] : memref<2x120xi32, #tpu.memory_space<vmem>> -> memref<1x120xi32, #tpu.memory_space<vmem>>
        %dma_start3A_193 = tpu.memref_squeeze %dma_start3A_192 : memref<1x120xi32, #tpu.memory_space<vmem>> -> memref<120xi32, #tpu.memory_space<vmem>>
        %dma_start3A_194 = arith.constant 0 : i32
        %dma_start3A_195 = arith.constant 0 : i32
        %dma_start3A_196 = tpu.memref_slice %arg2[%dma_start3A_194, %dma_start3A_195] : memref<10240x128xf32, #tpu.memory_space<hbm>> -> memref<10240x128xf32, #tpu.memory_space<hbm>>
        tpu.enqueue_indirect_dma source(%dma_start3A_196 : memref<10240x128xf32, #tpu.memory_space<hbm>>) target(%arg9 : memref<120x128xf32, #tpu.memory_space<vmem>>) offsets(%dma_start3A_193 : memref<120xi32, #tpu.memory_space<vmem>>) semaphore(%arg16 : memref<!tpu.dma_semaphore, #tpu.memory_space<semaphore_mem>>)
      } else {
      }
    }
    %scan3A_59 = arith.constant 28 : i32
    %dma_wait3A_60 = arith.constant 0 : i32
    %dma_wait3A_61 = arith.constant 0 : i32
    %dma_wait3A_62 = tpu.memref_slice %arg11[%dma_wait3A_60, %dma_wait3A_61] : memref<10240x128xf32, #tpu.memory_space<vmem_shared>> -> memref<120x128xf32, #tpu.memory_space<vmem_shared>>
    %dma_wait3A_63 = arith.constant 0 : i32
    %dma_wait3A_64 = arith.constant 0 : i32
    %dma_wait3A_65 = tpu.memref_slice %arg11[%dma_wait3A_63, %dma_wait3A_64] : memref<10240x128xf32, #tpu.memory_space<vmem_shared>> -> memref<120x128xf32, #tpu.memory_space<vmem_shared>>
    tpu.wait_dma2 semaphore(%arg20 : memref<!tpu.dma_semaphore, #tpu.memory_space<semaphore_mem>>) src(%arg10 : memref<120x128xf32, #tpu.memory_space<vmem>>) dst(%dma_wait3A_65 : memref<120x128xf32, #tpu.memory_space<vmem_shared>>)
    %barrier3A_66 = arith.constant 0 : index
    tpu.barrier barrier_id(%barrier3A_66)
    %mul3A_67 = arith.constant 640 : i32
    %mul3A_68 = arith.muli %arg1, %mul3A_67 : i32
    %mul3A_69 = arith.constant 10240 : i32
    %mul3A_70 = arith.muli %arg0, %mul3A_69 : i32
    %mul3A_71 = arith.constant 640 : i32
    %mul3A_72 = arith.muli %arg1, %mul3A_71 : i32
    %add3A_73 = arith.addi %mul3A_70, %mul3A_72 : i32
    "tpu.region"() ({
      %run_scoped3A = tpu.sem_alloc : memref<!tpu.dma_semaphore, #tpu.memory_space<semaphore_mem>>
      %dma_start3A_74 = arith.constant 0 : i32
      %dma_start3A_75 = tpu.memref_slice %arg4[%add3A_73, %dma_start3A_74] : memref<20480x128xf32, #tpu.memory_space<hbm>> -> memref<640x128xf32, #tpu.memory_space<hbm>>
      %dma_start3A_76 = arith.constant 0 : i32
      %dma_start3A_77 = tpu.memref_slice %arg11[%mul3A_68, %dma_start3A_76] : memref<10240x128xf32, #tpu.memory_space<vmem_shared>> -> memref<640x128xf32, #tpu.memory_space<vmem_shared>>
      tpu.enqueue_dma source(%dma_start3A_77 : memref<640x128xf32, #tpu.memory_space<vmem_shared>>) target(%dma_start3A_75 : memref<640x128xf32, #tpu.memory_space<hbm>>) target_semaphore(%run_scoped3A : memref<!tpu.dma_semaphore, #tpu.memory_space<semaphore_mem>>)
      %dma_wait3A_78 = arith.constant 0 : i32
      %dma_wait3A_79 = tpu.memref_slice %arg4[%add3A_73, %dma_wait3A_78] : memref<20480x128xf32, #tpu.memory_space<hbm>> -> memref<640x128xf32, #tpu.memory_space<hbm>>
      %dma_wait3A_80 = arith.constant 0 : i32
      %dma_wait3A_81 = tpu.memref_slice %arg11[%mul3A_68, %dma_wait3A_80] : memref<10240x128xf32, #tpu.memory_space<vmem_shared>> -> memref<640x128xf32, #tpu.memory_space<vmem_shared>>
      tpu.wait_dma2 semaphore(%run_scoped3A : memref<!tpu.dma_semaphore, #tpu.memory_space<semaphore_mem>>) src(%dma_wait3A_81 : memref<640x128xf32, #tpu.memory_space<vmem_shared>>) dst(%dma_wait3A_79 : memref<640x128xf32, #tpu.memory_space<hbm>>)
      tpu.yield
    }) : () -> ()
    return
  }
}

#map = affine_map<(d0, d1) -> (0, 0)>
#map1 = affine_map<(d0, d1) -> (0, 0, 0, 0)>
module attributes {stable_mosaic.version = 14 : i64} {
  func.func @k(%arg0: i32, %arg1: i32, %arg2: memref<10240x128xf32, #tpu.memory_space<hbm>>, %arg3: memref<84x32x2x120xi32, #tpu.memory_space<hbm>>, %arg4: memref<20480x128xf32, #tpu.memory_space<hbm>>, %arg5: memref<2x120xi32, #tpu.memory_space<vmem>>, %arg6: memref<2x120xi32, #tpu.memory_space<vmem>>, %arg7: memref<2x120xi32, #tpu.memory_space<vmem>>, %arg8: memref<120x128xf32, #tpu.memory_space<vmem>>, %arg9: memref<120x128xf32, #tpu.memory_space<vmem>>, %arg10: memref<120x128xf32, #tpu.memory_space<vmem>>, %arg11: memref<10240x128xf32, #tpu.memory_space<vmem_shared>>, %arg12: memref<!tpu.dma_semaphore, #tpu.memory_space<semaphore_mem>>, %arg13: memref<!tpu.dma_semaphore, #tpu.memory_space<semaphore_mem>>, %arg14: memref<!tpu.dma_semaphore, #tpu.memory_space<semaphore_mem>>, %arg15: memref<!tpu.dma_semaphore, #tpu.memory_space<semaphore_mem>>, %arg16: memref<!tpu.dma_semaphore, #tpu.memory_space<semaphore_mem>>, %arg17: memref<!tpu.dma_semaphore, #tpu.memory_space<semaphore_mem>>, %arg18: memref<!tpu.dma_semaphore, #tpu.memory_space<semaphore_mem>>, %arg19: memref<!tpu.dma_semaphore, #tpu.memory_space<semaphore_mem>>, %arg20: memref<!tpu.dma_semaphore, #tpu.memory_space<semaphore_mem>>) attributes {dimension_semantics = [#tpu.dimension_semantics<core_parallel>, #tpu.dimension_semantics<subcore_parallel>], iteration_bounds = array<i64: 2, 16>, scalar_prefetch = 0 : i64, scratch_operands = 16 : i64, tpu.core_type = #tpu.core_type<sc_vector_subcore>, window_params = [{transform_indices = #map}, {transform_indices = #map1}, {transform_indices = #map}]} {
    %mul3A = arith.constant 16 : i32
    %mul3A_0 = arith.muli %arg0, %mul3A : i32
    %add3A = arith.addi %mul3A_0, %arg1 : i32
    %mul3A_1 = arith.constant 640 : i32
    %mul3A_2 = arith.muli %arg1, %mul3A_1 : i32
    %mul3A_3 = arith.constant 640 : i32
    %mul3A_4 = arith.muli %arg1, %mul3A_3 : i32
    "tpu.region"() ({
      %run_scoped3A = tpu.sem_alloc : memref<!tpu.dma_semaphore, #tpu.memory_space<semaphore_mem>>
      %dma_start3A_74 = arith.constant 0 : i32
      %dma_start3A_75 = tpu.memref_slice %arg11[%mul3A_4, %dma_start3A_74] : memref<10240x128xf32, #tpu.memory_space<vmem_shared>> -> memref<640x128xf32, #tpu.memory_space<vmem_shared>>
      %dma_start3A_76 = arith.constant 0 : i32
      %dma_start3A_77 = tpu.memref_slice %arg2[%mul3A_2, %dma_start3A_76] : memref<10240x128xf32, #tpu.memory_space<hbm>> -> memref<640x128xf32, #tpu.memory_space<hbm>>
      tpu.enqueue_dma source(%dma_start3A_77 : memref<640x128xf32, #tpu.memory_space<hbm>>) target(%dma_start3A_75 : memref<640x128xf32, #tpu.memory_space<vmem_shared>>) target_semaphore(%run_scoped3A : memref<!tpu.dma_semaphore, #tpu.memory_space<semaphore_mem>>)
      %dma_wait3A_78 = arith.constant 0 : i32
      %dma_wait3A_79 = tpu.memref_slice %arg11[%mul3A_4, %dma_wait3A_78] : memref<10240x128xf32, #tpu.memory_space<vmem_shared>> -> memref<640x128xf32, #tpu.memory_space<vmem_shared>>
      %dma_wait3A_80 = arith.constant 0 : i32
      %dma_wait3A_81 = tpu.memref_slice %arg2[%mul3A_2, %dma_wait3A_80] : memref<10240x128xf32, #tpu.memory_space<hbm>> -> memref<640x128xf32, #tpu.memory_space<hbm>>
      tpu.wait_dma2 semaphore(%run_scoped3A : memref<!tpu.dma_semaphore, #tpu.memory_space<semaphore_mem>>) src(%dma_wait3A_81 : memref<640x128xf32, #tpu.memory_space<hbm>>) dst(%dma_wait3A_79 : memref<640x128xf32, #tpu.memory_space<vmem_shared>>)
      tpu.yield
    }) : () -> ()
    %barrier3A = arith.constant 0 : index
    tpu.barrier barrier_id(%barrier3A)
    %dma_start3A = arith.constant 0 : i32
    %dma_start3A_5 = arith.constant 0 : i32
    %dma_start3A_6 = arith.constant 0 : i32
    %dma_start3A_7 = tpu.memref_slice %arg3[%dma_start3A, %add3A, %dma_start3A_5, %dma_start3A_6] : memref<84x32x2x120xi32, #tpu.memory_space<hbm>> -> memref<1x1x2x120xi32, #tpu.memory_space<hbm>>
    %dma_start3A_8 = tpu.memref_squeeze %dma_start3A_7 : memref<1x1x2x120xi32, #tpu.memory_space<hbm>> -> memref<2x120xi32, #tpu.memory_space<hbm>>
    %dma_start3A_9 = arith.constant 0 : i32
    %dma_start3A_10 = arith.constant 0 : i32
    %dma_start3A_11 = tpu.memref_slice %arg3[%dma_start3A, %add3A, %dma_start3A_9, %dma_start3A_10] : memref<84x32x2x120xi32, #tpu.memory_space<hbm>> -> memref<1x1x2x120xi32, #tpu.memory_space<hbm>>
    %dma_start3A_12 = tpu.memref_squeeze %dma_start3A_11 : memref<1x1x2x120xi32, #tpu.memory_space<hbm>> -> memref<2x120xi32, #tpu.memory_space<hbm>>
    tpu.enqueue_dma source(%dma_start3A_12 : memref<2x120xi32, #tpu.memory_space<hbm>>) target(%arg5 : memref<2x120xi32, #tpu.memory_space<vmem>>) target_semaphore(%arg12 : memref<!tpu.dma_semaphore, #tpu.memory_space<semaphore_mem>>)
    %dma_start3A_13 = arith.constant 1 : i32
    %dma_start3A_14 = arith.constant 0 : i32
    %dma_start3A_15 = arith.constant 0 : i32
    %dma_start3A_16 = tpu.memref_slice %arg3[%dma_start3A_13, %add3A, %dma_start3A_14, %dma_start3A_15] : memref<84x32x2x120xi32, #tpu.memory_space<hbm>> -> memref<1x1x2x120xi32, #tpu.memory_space<hbm>>
    %dma_start3A_17 = tpu.memref_squeeze %dma_start3A_16 : memref<1x1x2x120xi32, #tpu.memory_space<hbm>> -> memref<2x120xi32, #tpu.memory_space<hbm>>
    %dma_start3A_18 = arith.constant 0 : i32
    %dma_start3A_19 = arith.constant 0 : i32
    %dma_start3A_20 = tpu.memref_slice %arg3[%dma_start3A_13, %add3A, %dma_start3A_18, %dma_start3A_19] : memref<84x32x2x120xi32, #tpu.memory_space<hbm>> -> memref<1x1x2x120xi32, #tpu.memory_space<hbm>>
    %dma_start3A_21 = tpu.memref_squeeze %dma_start3A_20 : memref<1x1x2x120xi32, #tpu.memory_space<hbm>> -> memref<2x120xi32, #tpu.memory_space<hbm>>
    tpu.enqueue_dma source(%dma_start3A_21 : memref<2x120xi32, #tpu.memory_space<hbm>>) target(%arg6 : memref<2x120xi32, #tpu.memory_space<vmem>>) target_semaphore(%arg13 : memref<!tpu.dma_semaphore, #tpu.memory_space<semaphore_mem>>)
    %dma_wait3A = arith.constant 0 : i32
    %dma_wait3A_22 = arith.constant 0 : i32
    %dma_wait3A_23 = arith.constant 0 : i32
    %dma_wait3A_24 = arith.constant 0 : i32
    %dma_wait3A_25 = tpu.memref_slice %arg3[%dma_wait3A, %dma_wait3A_22, %dma_wait3A_23, %dma_wait3A_24] : memref<84x32x2x120xi32, #tpu.memory_space<hbm>> -> memref<1x1x2x120xi32, #tpu.memory_space<hbm>>
    %dma_wait3A_26 = tpu.memref_squeeze %dma_wait3A_25 : memref<1x1x2x120xi32, #tpu.memory_space<hbm>> -> memref<2x120xi32, #tpu.memory_space<hbm>>
    %dma_wait3A_27 = arith.constant 0 : i32
    %dma_wait3A_28 = arith.constant 0 : i32
    %dma_wait3A_29 = tpu.memref_slice %arg3[%dma_wait3A, %dma_wait3A_22, %dma_wait3A_27, %dma_wait3A_28] : memref<84x32x2x120xi32, #tpu.memory_space<hbm>> -> memref<1x1x2x120xi32, #tpu.memory_space<hbm>>
    %dma_wait3A_30 = tpu.memref_squeeze %dma_wait3A_29 : memref<1x1x2x120xi32, #tpu.memory_space<hbm>> -> memref<2x120xi32, #tpu.memory_space<hbm>>
    tpu.wait_dma2 semaphore(%arg12 : memref<!tpu.dma_semaphore, #tpu.memory_space<semaphore_mem>>) src(%dma_wait3A_30 : memref<2x120xi32, #tpu.memory_space<hbm>>) dst(%arg5 : memref<2x120xi32, #tpu.memory_space<vmem>>)
    %dma_start3A_31 = arith.constant 0 : i32
    %dma_start3A_32 = arith.constant 0 : i32
    %dma_start3A_33 = tpu.memref_slice %arg5[%dma_start3A_31, %dma_start3A_32] : memref<2x120xi32, #tpu.memory_space<vmem>> -> memref<1x120xi32, #tpu.memory_space<vmem>>
    %dma_start3A_34 = tpu.memref_squeeze %dma_start3A_33 : memref<1x120xi32, #tpu.memory_space<vmem>> -> memref<120xi32, #tpu.memory_space<vmem>>
    %dma_start3A_35 = arith.constant 0 : i32
    %dma_start3A_36 = arith.constant 0 : i32
    %dma_start3A_37 = tpu.memref_slice %arg2[%dma_start3A_35, %dma_start3A_36] : memref<10240x128xf32, #tpu.memory_space<hbm>> -> memref<10240x128xf32, #tpu.memory_space<hbm>>
    tpu.enqueue_indirect_dma source(%dma_start3A_37 : memref<10240x128xf32, #tpu.memory_space<hbm>>) target(%arg8 : memref<120x128xf32, #tpu.memory_space<vmem>>) offsets(%dma_start3A_34 : memref<120xi32, #tpu.memory_space<vmem>>) semaphore(%arg15 : memref<!tpu.dma_semaphore, #tpu.memory_space<semaphore_mem>>)
    %dma_wait3A_38 = arith.constant 0 : i32
    %dma_wait3A_39 = arith.constant 0 : i32
    %dma_wait3A_40 = arith.constant 0 : i32
    %dma_wait3A_41 = arith.constant 0 : i32
    %dma_wait3A_42 = tpu.memref_slice %arg3[%dma_wait3A_38, %dma_wait3A_39, %dma_wait3A_40, %dma_wait3A_41] : memref<84x32x2x120xi32, #tpu.memory_space<hbm>> -> memref<1x1x2x120xi32, #tpu.memory_space<hbm>>
    %dma_wait3A_43 = tpu.memref_squeeze %dma_wait3A_42 : memref<1x1x2x120xi32, #tpu.memory_space<hbm>> -> memref<2x120xi32, #tpu.memory_space<hbm>>
    %dma_wait3A_44 = arith.constant 0 : i32
    %dma_wait3A_45 = arith.constant 0 : i32
    %dma_wait3A_46 = tpu.memref_slice %arg3[%dma_wait3A_38, %dma_wait3A_39, %dma_wait3A_44, %dma_wait3A_45] : memref<84x32x2x120xi32, #tpu.memory_space<hbm>> -> memref<1x1x2x120xi32, #tpu.memory_space<hbm>>
    %dma_wait3A_47 = tpu.memref_squeeze %dma_wait3A_46 : memref<1x1x2x120xi32, #tpu.memory_space<hbm>> -> memref<2x120xi32, #tpu.memory_space<hbm>>
    tpu.wait_dma2 semaphore(%arg13 : memref<!tpu.dma_semaphore, #tpu.memory_space<semaphore_mem>>) src(%dma_wait3A_47 : memref<2x120xi32, #tpu.memory_space<hbm>>) dst(%arg6 : memref<2x120xi32, #tpu.memory_space<vmem>>)
    %dma_start3A_48 = arith.constant 0 : i32
    %dma_start3A_49 = arith.constant 0 : i32
    %dma_start3A_50 = tpu.memref_slice %arg6[%dma_start3A_48, %dma_start3A_49] : memref<2x120xi32, #tpu.memory_space<vmem>> -> memref<1x120xi32, #tpu.memory_space<vmem>>
    %dma_start3A_51 = tpu.memref_squeeze %dma_start3A_50 : memref<1x120xi32, #tpu.memory_space<vmem>> -> memref<120xi32, #tpu.memory_space<vmem>>
    %dma_start3A_52 = arith.constant 0 : i32
    %dma_start3A_53 = arith.constant 0 : i32
    %dma_start3A_54 = tpu.memref_slice %arg2[%dma_start3A_52, %dma_start3A_53] : memref<10240x128xf32, #tpu.memory_space<hbm>> -> memref<10240x128xf32, #tpu.memory_space<hbm>>
    tpu.enqueue_indirect_dma source(%dma_start3A_54 : memref<10240x128xf32, #tpu.memory_space<hbm>>) target(%arg9 : memref<120x128xf32, #tpu.memory_space<vmem>>) offsets(%dma_start3A_51 : memref<120xi32, #tpu.memory_space<vmem>>) semaphore(%arg16 : memref<!tpu.dma_semaphore, #tpu.memory_space<semaphore_mem>>)
    %scan3A = arith.constant 0 : i32
    %scan3A_55 = arith.constant 0 : i32
    %scan3A_56 = arith.constant 28 : i32
    %scan3A_57 = arith.addi %scan3A_55, %scan3A_56 : i32
    %scan3A_58 = arith.constant 1 : i32
    scf.for %scan3A_74 = %scan3A_55 to %scan3A_57 step %scan3A_58  : i32 {
      %mul3A_75 = arith.constant 3 : i32
      %mul3A_76 = arith.muli %mul3A_75, %scan3A_74 : i32
      %dma_wait3A_77 = arith.constant 0 : i32
      %dma_wait3A_78 = arith.constant 0 : i32
      %dma_wait3A_79 = tpu.memref_slice %arg2[%dma_wait3A_77, %dma_wait3A_78] : memref<10240x128xf32, #tpu.memory_space<hbm>> -> memref<120x128xf32, #tpu.memory_space<hbm>>
      %dma_wait3A_80 = arith.constant 0 : i32
      %dma_wait3A_81 = arith.constant 0 : i32
      %dma_wait3A_82 = tpu.memref_slice %arg2[%dma_wait3A_80, %dma_wait3A_81] : memref<10240x128xf32, #tpu.memory_space<hbm>> -> memref<120x128xf32, #tpu.memory_space<hbm>>
      tpu.wait_dma2 semaphore(%arg15 : memref<!tpu.dma_semaphore, #tpu.memory_space<semaphore_mem>>) src(%dma_wait3A_82 : memref<120x128xf32, #tpu.memory_space<hbm>>) dst(%arg8 : memref<120x128xf32, #tpu.memory_space<vmem>>)
      %dma_start3A_83 = arith.constant 1 : i32
      %dma_start3A_84 = arith.constant 0 : i32
      %dma_start3A_85 = tpu.memref_slice %arg5[%dma_start3A_83, %dma_start3A_84] : memref<2x120xi32, #tpu.memory_space<vmem>> -> memref<1x120xi32, #tpu.memory_space<vmem>>
      %dma_start3A_86 = tpu.memref_squeeze %dma_start3A_85 : memref<1x120xi32, #tpu.memory_space<vmem>> -> memref<120xi32, #tpu.memory_space<vmem>>
      %dma_start3A_87 = arith.constant 0 : i32
      %dma_start3A_88 = arith.constant 0 : i32
      %dma_start3A_89 = tpu.memref_slice %arg11[%dma_start3A_87, %dma_start3A_88] : memref<10240x128xf32, #tpu.memory_space<vmem_shared>> -> memref<10240x128xf32, #tpu.memory_space<vmem_shared>>
      tpu.enqueue_indirect_dma source(%arg8 : memref<120x128xf32, #tpu.memory_space<vmem>>) target(%dma_start3A_89 : memref<10240x128xf32, #tpu.memory_space<vmem_shared>>) offsets(%dma_start3A_86 : memref<120xi32, #tpu.memory_space<vmem>>) semaphore(%arg18 : memref<!tpu.dma_semaphore, #tpu.memory_space<semaphore_mem>>) {add = true}
      %gt3A = arith.constant 0 : i32
      %gt3A_90 = arith.cmpi sgt, %scan3A_74, %gt3A : i32
      %convert_element_type3A = arith.extui %gt3A_90 : i1 to i32
      %cond3A = arith.constant 0 : i32
      %cond3A_91 = arith.cmpi ne, %convert_element_type3A, %cond3A : i32
      scf.if %cond3A_91 {
        %dma_wait3A_168 = arith.constant 0 : i32
        %dma_wait3A_169 = arith.constant 0 : i32
        %dma_wait3A_170 = tpu.memref_slice %arg11[%dma_wait3A_168, %dma_wait3A_169] : memref<10240x128xf32, #tpu.memory_space<vmem_shared>> -> memref<120x128xf32, #tpu.memory_space<vmem_shared>>
        %dma_wait3A_171 = arith.constant 0 : i32
        %dma_wait3A_172 = arith.constant 0 : i32
        %dma_wait3A_173 = tpu.memref_slice %arg11[%dma_wait3A_171, %dma_wait3A_172] : memref<10240x128xf32, #tpu.memory_space<vmem_shared>> -> memref<120x128xf32, #tpu.memory_space<vmem_shared>>
        tpu.wait_dma2 semaphore(%arg20 : memref<!tpu.dma_semaphore, #tpu.memory_space<semaphore_mem>>) src(%arg10 : memref<120x128xf32, #tpu.memory_space<vmem>>) dst(%dma_wait3A_173 : memref<120x128xf32, #tpu.memory_space<vmem_shared>>)
      } else {
      }
      %add3A_92 = arith.constant 0 : i32
      %add3A_93 = arith.addi %mul3A_76, %add3A_92 : i32
      %add3A_94 = arith.constant 2 : i32
      %add3A_95 = arith.addi %add3A_93, %add3A_94 : i32
      %dma_start3A_96 = arith.constant 0 : i32
      %dma_start3A_97 = arith.constant 0 : i32
      %dma_start3A_98 = tpu.memref_slice %arg3[%add3A_95, %add3A, %dma_start3A_96, %dma_start3A_97] : memref<84x32x2x120xi32, #tpu.memory_space<hbm>> -> memref<1x1x2x120xi32, #tpu.memory_space<hbm>>
      %dma_start3A_99 = tpu.memref_squeeze %dma_start3A_98 : memref<1x1x2x120xi32, #tpu.memory_space<hbm>> -> memref<2x120xi32, #tpu.memory_space<hbm>>
      %dma_start3A_100 = arith.constant 0 : i32
      %dma_start3A_101 = arith.constant 0 : i32
      %dma_start3A_102 = tpu.memref_slice %arg3[%add3A_95, %add3A, %dma_start3A_100, %dma_start3A_101] : memref<84x32x2x120xi32, #tpu.memory_space<hbm>> -> memref<1x1x2x120xi32, #tpu.memory_space<hbm>>
      %dma_start3A_103 = tpu.memref_squeeze %dma_start3A_102 : memref<1x1x2x120xi32, #tpu.memory_space<hbm>> -> memref<2x120xi32, #tpu.memory_space<hbm>>
      tpu.enqueue_dma source(%dma_start3A_103 : memref<2x120xi32, #tpu.memory_space<hbm>>) target(%arg7 : memref<2x120xi32, #tpu.memory_space<vmem>>) target_semaphore(%arg14 : memref<!tpu.dma_semaphore, #tpu.memory_space<semaphore_mem>>)
      %dma_wait3A_104 = arith.constant 0 : i32
      %dma_wait3A_105 = arith.constant 0 : i32
      %dma_wait3A_106 = arith.constant 0 : i32
      %dma_wait3A_107 = arith.constant 0 : i32
      %dma_wait3A_108 = tpu.memref_slice %arg3[%dma_wait3A_104, %dma_wait3A_105, %dma_wait3A_106, %dma_wait3A_107] : memref<84x32x2x120xi32, #tpu.memory_space<hbm>> -> memref<1x1x2x120xi32, #tpu.memory_space<hbm>>
      %dma_wait3A_109 = tpu.memref_squeeze %dma_wait3A_108 : memref<1x1x2x120xi32, #tpu.memory_space<hbm>> -> memref<2x120xi32, #tpu.memory_space<hbm>>
      %dma_wait3A_110 = arith.constant 0 : i32
      %dma_wait3A_111 = arith.constant 0 : i32
      %dma_wait3A_112 = tpu.memref_slice %arg3[%dma_wait3A_104, %dma_wait3A_105, %dma_wait3A_110, %dma_wait3A_111] : memref<84x32x2x120xi32, #tpu.memory_space<hbm>> -> memref<1x1x2x120xi32, #tpu.memory_space<hbm>>
      %dma_wait3A_113 = tpu.memref_squeeze %dma_wait3A_112 : memref<1x1x2x120xi32, #tpu.memory_space<hbm>> -> memref<2x120xi32, #tpu.memory_space<hbm>>
      tpu.wait_dma2 semaphore(%arg14 : memref<!tpu.dma_semaphore, #tpu.memory_space<semaphore_mem>>) src(%dma_wait3A_113 : memref<2x120xi32, #tpu.memory_space<hbm>>) dst(%arg7 : memref<2x120xi32, #tpu.memory_space<vmem>>)
      %dma_start3A_114 = arith.constant 0 : i32
      %dma_start3A_115 = arith.constant 0 : i32
      %dma_start3A_116 = tpu.memref_slice %arg7[%dma_start3A_114, %dma_start3A_115] : memref<2x120xi32, #tpu.memory_space<vmem>> -> memref<1x120xi32, #tpu.memory_space<vmem>>
      %dma_start3A_117 = tpu.memref_squeeze %dma_start3A_116 : memref<1x120xi32, #tpu.memory_space<vmem>> -> memref<120xi32, #tpu.memory_space<vmem>>
      %dma_start3A_118 = arith.constant 0 : i32
      %dma_start3A_119 = arith.constant 0 : i32
      %dma_start3A_120 = tpu.memref_slice %arg2[%dma_start3A_118, %dma_start3A_119] : memref<10240x128xf32, #tpu.memory_space<hbm>> -> memref<10240x128xf32, #tpu.memory_space<hbm>>
      tpu.enqueue_indirect_dma source(%dma_start3A_120 : memref<10240x128xf32, #tpu.memory_space<hbm>>) target(%arg10 : memref<120x128xf32, #tpu.memory_space<vmem>>) offsets(%dma_start3A_117 : memref<120xi32, #tpu.memory_space<vmem>>) semaphore(%arg17 : memref<!tpu.dma_semaphore, #tpu.memory_space<semaphore_mem>>)
      %dma_wait3A_121 = arith.constant 0 : i32
      %dma_wait3A_122 = arith.constant 0 : i32
      %dma_wait3A_123 = tpu.memref_slice %arg2[%dma_wait3A_121, %dma_wait3A_122] : memref<10240x128xf32, #tpu.memory_space<hbm>> -> memref<120x128xf32, #tpu.memory_space<hbm>>
      %dma_wait3A_124 = arith.constant 0 : i32
      %dma_wait3A_125 = arith.constant 0 : i32
      %dma_wait3A_126 = tpu.memref_slice %arg2[%dma_wait3A_124, %dma_wait3A_125] : memref<10240x128xf32, #tpu.memory_space<hbm>> -> memref<120x128xf32, #tpu.memory_space<hbm>>
      tpu.wait_dma2 semaphore(%arg16 : memref<!tpu.dma_semaphore, #tpu.memory_space<semaphore_mem>>) src(%dma_wait3A_126 : memref<120x128xf32, #tpu.memory_space<hbm>>) dst(%arg9 : memref<120x128xf32, #tpu.memory_space<vmem>>)
      %dma_start3A_127 = arith.constant 1 : i32
      %dma_start3A_128 = arith.constant 0 : i32
      %dma_start3A_129 = tpu.memref_slice %arg6[%dma_start3A_127, %dma_start3A_128] : memref<2x120xi32, #tpu.memory_space<vmem>> -> memref<1x120xi32, #tpu.memory_space<vmem>>
      %dma_start3A_130 = tpu.memref_squeeze %dma_start3A_129 : memref<1x120xi32, #tpu.memory_space<vmem>> -> memref<120xi32, #tpu.memory_space<vmem>>
      %dma_start3A_131 = arith.constant 0 : i32
      %dma_start3A_132 = arith.constant 0 : i32
      %dma_start3A_133 = tpu.memref_slice %arg11[%dma_start3A_131, %dma_start3A_132] : memref<10240x128xf32, #tpu.memory_space<vmem_shared>> -> memref<10240x128xf32, #tpu.memory_space<vmem_shared>>
      tpu.enqueue_indirect_dma source(%arg9 : memref<120x128xf32, #tpu.memory_space<vmem>>) target(%dma_start3A_133 : memref<10240x128xf32, #tpu.memory_space<vmem_shared>>) offsets(%dma_start3A_130 : memref<120xi32, #tpu.memory_space<vmem>>) semaphore(%arg19 : memref<!tpu.dma_semaphore, #tpu.memory_space<semaphore_mem>>) {add = true}
      %dma_wait3A_134 = arith.constant 0 : i32
      %dma_wait3A_135 = arith.constant 0 : i32
      %dma_wait3A_136 = tpu.memref_slice %arg11[%dma_wait3A_134, %dma_wait3A_135] : memref<10240x128xf32, #tpu.memory_space<vmem_shared>> -> memref<120x128xf32, #tpu.memory_space<vmem_shared>>
      %dma_wait3A_137 = arith.constant 0 : i32
      %dma_wait3A_138 = arith.constant 0 : i32
      %dma_wait3A_139 = tpu.memref_slice %arg11[%dma_wait3A_137, %dma_wait3A_138] : memref<10240x128xf32, #tpu.memory_space<vmem_shared>> -> memref<120x128xf32, #tpu.memory_space<vmem_shared>>
      tpu.wait_dma2 semaphore(%arg18 : memref<!tpu.dma_semaphore, #tpu.memory_space<semaphore_mem>>) src(%arg8 : memref<120x128xf32, #tpu.memory_space<vmem>>) dst(%dma_wait3A_139 : memref<120x128xf32, #tpu.memory_space<vmem_shared>>)
      %lt3A = arith.constant 27 : i32
      %lt3A_140 = arith.cmpi slt, %scan3A_74, %lt3A : i32
      %convert_element_type3A_141 = arith.extui %lt3A_140 : i1 to i32
      %cond3A_142 = arith.constant 0 : i32
      %cond3A_143 = arith.cmpi ne, %convert_element_type3A_141, %cond3A_142 : i32
      scf.if %cond3A_143 {
        %add3A_168 = arith.constant 1 : i32
        %add3A_169 = arith.addi %mul3A_76, %add3A_168 : i32
        %add3A_170 = arith.constant 2 : i32
        %add3A_171 = arith.addi %add3A_169, %add3A_170 : i32
        %dma_start3A_172 = arith.constant 0 : i32
        %dma_start3A_173 = arith.constant 0 : i32
        %dma_start3A_174 = tpu.memref_slice %arg3[%add3A_171, %add3A, %dma_start3A_172, %dma_start3A_173] : memref<84x32x2x120xi32, #tpu.memory_space<hbm>> -> memref<1x1x2x120xi32, #tpu.memory_space<hbm>>
        %dma_start3A_175 = tpu.memref_squeeze %dma_start3A_174 : memref<1x1x2x120xi32, #tpu.memory_space<hbm>> -> memref<2x120xi32, #tpu.memory_space<hbm>>
        %dma_start3A_176 = arith.constant 0 : i32
        %dma_start3A_177 = arith.constant 0 : i32
        %dma_start3A_178 = tpu.memref_slice %arg3[%add3A_171, %add3A, %dma_start3A_176, %dma_start3A_177] : memref<84x32x2x120xi32, #tpu.memory_space<hbm>> -> memref<1x1x2x120xi32, #tpu.memory_space<hbm>>
        %dma_start3A_179 = tpu.memref_squeeze %dma_start3A_178 : memref<1x1x2x120xi32, #tpu.memory_space<hbm>> -> memref<2x120xi32, #tpu.memory_space<hbm>>
        tpu.enqueue_dma source(%dma_start3A_179 : memref<2x120xi32, #tpu.memory_space<hbm>>) target(%arg5 : memref<2x120xi32, #tpu.memory_space<vmem>>) target_semaphore(%arg12 : memref<!tpu.dma_semaphore, #tpu.memory_space<semaphore_mem>>)
        %dma_wait3A_180 = arith.constant 0 : i32
        %dma_wait3A_181 = arith.constant 0 : i32
        %dma_wait3A_182 = arith.constant 0 : i32
        %dma_wait3A_183 = arith.constant 0 : i32
        %dma_wait3A_184 = tpu.memref_slice %arg3[%dma_wait3A_180, %dma_wait3A_181, %dma_wait3A_182, %dma_wait3A_183] : memref<84x32x2x120xi32, #tpu.memory_space<hbm>> -> memref<1x1x2x120xi32, #tpu.memory_space<hbm>>
        %dma_wait3A_185 = tpu.memref_squeeze %dma_wait3A_184 : memref<1x1x2x120xi32, #tpu.memory_space<hbm>> -> memref<2x120xi32, #tpu.memory_space<hbm>>
        %dma_wait3A_186 = arith.constant 0 : i32
        %dma_wait3A_187 = arith.constant 0 : i32
        %dma_wait3A_188 = tpu.memref_slice %arg3[%dma_wait3A_180, %dma_wait3A_181, %dma_wait3A_186, %dma_wait3A_187] : memref<84x32x2x120xi32, #tpu.memory_space<hbm>> -> memref<1x1x2x120xi32, #tpu.memory_space<hbm>>
        %dma_wait3A_189 = tpu.memref_squeeze %dma_wait3A_188 : memref<1x1x2x120xi32, #tpu.memory_space<hbm>> -> memref<2x120xi32, #tpu.memory_space<hbm>>
        tpu.wait_dma2 semaphore(%arg12 : memref<!tpu.dma_semaphore, #tpu.memory_space<semaphore_mem>>) src(%dma_wait3A_189 : memref<2x120xi32, #tpu.memory_space<hbm>>) dst(%arg5 : memref<2x120xi32, #tpu.memory_space<vmem>>)
        %dma_start3A_190 = arith.constant 0 : i32
        %dma_start3A_191 = arith.constant 0 : i32
        %dma_start3A_192 = tpu.memref_slice %arg5[%dma_start3A_190, %dma_start3A_191] : memref<2x120xi32, #tpu.memory_space<vmem>> -> memref<1x120xi32, #tpu.memory_space<vmem>>
        %dma_start3A_193 = tpu.memref_squeeze %dma_start3A_192 : memref<1x120xi32, #tpu.memory_space<vmem>> -> memref<120xi32, #tpu.memory_space<vmem>>
        %dma_start3A_194 = arith.constant 0 : i32
        %dma_start3A_195 = arith.constant 0 : i32
        %dma_start3A_196 = tpu.memref_slice %arg2[%dma_start3A_194, %dma_start3A_195] : memref<10240x128xf32, #tpu.memory_space<hbm>> -> memref<10240x128xf32, #tpu.memory_space<hbm>>
        tpu.enqueue_indirect_dma source(%dma_start3A_196 : memref<10240x128xf32, #tpu.memory_space<hbm>>) target(%arg8 : memref<120x128xf32, #tpu.memory_space<vmem>>) offsets(%dma_start3A_193 : memref<120xi32, #tpu.memory_space<vmem>>) semaphore(%arg15 : memref<!tpu.dma_semaphore, #tpu.memory_space<semaphore_mem>>)
      } else {
      }
      %dma_wait3A_144 = arith.constant 0 : i32
      %dma_wait3A_145 = arith.constant 0 : i32
      %dma_wait3A_146 = tpu.memref_slice %arg2[%dma_wait3A_144, %dma_wait3A_145] : memref<10240x128xf32, #tpu.memory_space<hbm>> -> memref<120x128xf32, #tpu.memory_space<hbm>>
      %dma_wait3A_147 = arith.constant 0 : i32
      %dma_wait3A_148 = arith.constant 0 : i32
      %dma_wait3A_149 = tpu.memref_slice %arg2[%dma_wait3A_147, %dma_wait3A_148] : memref<10240x128xf32, #tpu.memory_space<hbm>> -> memref<120x128xf32, #tpu.memory_space<hbm>>
      tpu.wait_dma2 semaphore(%arg17 : memref<!tpu.dma_semaphore, #tpu.memory_space<semaphore_mem>>) src(%dma_wait3A_149 : memref<120x128xf32, #tpu.memory_space<hbm>>) dst(%arg10 : memref<120x128xf32, #tpu.memory_space<vmem>>)
      %dma_start3A_150 = arith.constant 1 : i32
      %dma_start3A_151 = arith.constant 0 : i32
      %dma_start3A_152 = tpu.memref_slice %arg7[%dma_start3A_150, %dma_start3A_151] : memref<2x120xi32, #tpu.memory_space<vmem>> -> memref<1x120xi32, #tpu.memory_space<vmem>>
      %dma_start3A_153 = tpu.memref_squeeze %dma_start3A_152 : memref<1x120xi32, #tpu.memory_space<vmem>> -> memref<120xi32, #tpu.memory_space<vmem>>
      %dma_start3A_154 = arith.constant 0 : i32
      %dma_start3A_155 = arith.constant 0 : i32
      %dma_start3A_156 = tpu.memref_slice %arg11[%dma_start3A_154, %dma_start3A_155] : memref<10240x128xf32, #tpu.memory_space<vmem_shared>> -> memref<10240x128xf32, #tpu.memory_space<vmem_shared>>
      tpu.enqueue_indirect_dma source(%arg10 : memref<120x128xf32, #tpu.memory_space<vmem>>) target(%dma_start3A_156 : memref<10240x128xf32, #tpu.memory_space<vmem_shared>>) offsets(%dma_start3A_153 : memref<120xi32, #tpu.memory_space<vmem>>) semaphore(%arg20 : memref<!tpu.dma_semaphore, #tpu.memory_space<semaphore_mem>>) {add = true}
      %dma_wait3A_157 = arith.constant 0 : i32
      %dma_wait3A_158 = arith.constant 0 : i32
      %dma_wait3A_159 = tpu.memref_slice %arg11[%dma_wait3A_157, %dma_wait3A_158] : memref<10240x128xf32, #tpu.memory_space<vmem_shared>> -> memref<120x128xf32, #tpu.memory_space<vmem_shared>>
      %dma_wait3A_160 = arith.constant 0 : i32
      %dma_wait3A_161 = arith.constant 0 : i32
      %dma_wait3A_162 = tpu.memref_slice %arg11[%dma_wait3A_160, %dma_wait3A_161] : memref<10240x128xf32, #tpu.memory_space<vmem_shared>> -> memref<120x128xf32, #tpu.memory_space<vmem_shared>>
      tpu.wait_dma2 semaphore(%arg19 : memref<!tpu.dma_semaphore, #tpu.memory_space<semaphore_mem>>) src(%arg9 : memref<120x128xf32, #tpu.memory_space<vmem>>) dst(%dma_wait3A_162 : memref<120x128xf32, #tpu.memory_space<vmem_shared>>)
      %lt3A_163 = arith.constant 27 : i32
      %lt3A_164 = arith.cmpi slt, %scan3A_74, %lt3A_163 : i32
      %convert_element_type3A_165 = arith.extui %lt3A_164 : i1 to i32
      %cond3A_166 = arith.constant 0 : i32
      %cond3A_167 = arith.cmpi ne, %convert_element_type3A_165, %cond3A_166 : i32
      scf.if %cond3A_167 {
        %add3A_168 = arith.constant 2 : i32
        %add3A_169 = arith.addi %mul3A_76, %add3A_168 : i32
        %add3A_170 = arith.constant 2 : i32
        %add3A_171 = arith.addi %add3A_169, %add3A_170 : i32
        %dma_start3A_172 = arith.constant 0 : i32
        %dma_start3A_173 = arith.constant 0 : i32
        %dma_start3A_174 = tpu.memref_slice %arg3[%add3A_171, %add3A, %dma_start3A_172, %dma_start3A_173] : memref<84x32x2x120xi32, #tpu.memory_space<hbm>> -> memref<1x1x2x120xi32, #tpu.memory_space<hbm>>
        %dma_start3A_175 = tpu.memref_squeeze %dma_start3A_174 : memref<1x1x2x120xi32, #tpu.memory_space<hbm>> -> memref<2x120xi32, #tpu.memory_space<hbm>>
        %dma_start3A_176 = arith.constant 0 : i32
        %dma_start3A_177 = arith.constant 0 : i32
        %dma_start3A_178 = tpu.memref_slice %arg3[%add3A_171, %add3A, %dma_start3A_176, %dma_start3A_177] : memref<84x32x2x120xi32, #tpu.memory_space<hbm>> -> memref<1x1x2x120xi32, #tpu.memory_space<hbm>>
        %dma_start3A_179 = tpu.memref_squeeze %dma_start3A_178 : memref<1x1x2x120xi32, #tpu.memory_space<hbm>> -> memref<2x120xi32, #tpu.memory_space<hbm>>
        tpu.enqueue_dma source(%dma_start3A_179 : memref<2x120xi32, #tpu.memory_space<hbm>>) target(%arg6 : memref<2x120xi32, #tpu.memory_space<vmem>>) target_semaphore(%arg13 : memref<!tpu.dma_semaphore, #tpu.memory_space<semaphore_mem>>)
        %dma_wait3A_180 = arith.constant 0 : i32
        %dma_wait3A_181 = arith.constant 0 : i32
        %dma_wait3A_182 = arith.constant 0 : i32
        %dma_wait3A_183 = arith.constant 0 : i32
        %dma_wait3A_184 = tpu.memref_slice %arg3[%dma_wait3A_180, %dma_wait3A_181, %dma_wait3A_182, %dma_wait3A_183] : memref<84x32x2x120xi32, #tpu.memory_space<hbm>> -> memref<1x1x2x120xi32, #tpu.memory_space<hbm>>
        %dma_wait3A_185 = tpu.memref_squeeze %dma_wait3A_184 : memref<1x1x2x120xi32, #tpu.memory_space<hbm>> -> memref<2x120xi32, #tpu.memory_space<hbm>>
        %dma_wait3A_186 = arith.constant 0 : i32
        %dma_wait3A_187 = arith.constant 0 : i32
        %dma_wait3A_188 = tpu.memref_slice %arg3[%dma_wait3A_180, %dma_wait3A_181, %dma_wait3A_186, %dma_wait3A_187] : memref<84x32x2x120xi32, #tpu.memory_space<hbm>> -> memref<1x1x2x120xi32, #tpu.memory_space<hbm>>
        %dma_wait3A_189 = tpu.memref_squeeze %dma_wait3A_188 : memref<1x1x2x120xi32, #tpu.memory_space<hbm>> -> memref<2x120xi32, #tpu.memory_space<hbm>>
        tpu.wait_dma2 semaphore(%arg13 : memref<!tpu.dma_semaphore, #tpu.memory_space<semaphore_mem>>) src(%dma_wait3A_189 : memref<2x120xi32, #tpu.memory_space<hbm>>) dst(%arg6 : memref<2x120xi32, #tpu.memory_space<vmem>>)
        %dma_start3A_190 = arith.constant 0 : i32
        %dma_start3A_191 = arith.constant 0 : i32
        %dma_start3A_192 = tpu.memref_slice %arg6[%dma_start3A_190, %dma_start3A_191] : memref<2x120xi32, #tpu.memory_space<vmem>> -> memref<1x120xi32, #tpu.memory_space<vmem>>
        %dma_start3A_193 = tpu.memref_squeeze %dma_start3A_192 : memref<1x120xi32, #tpu.memory_space<vmem>> -> memref<120xi32, #tpu.memory_space<vmem>>
        %dma_start3A_194 = arith.constant 0 : i32
        %dma_start3A_195 = arith.constant 0 : i32
        %dma_start3A_196 = tpu.memref_slice %arg2[%dma_start3A_194, %dma_start3A_195] : memref<10240x128xf32, #tpu.memory_space<hbm>> -> memref<10240x128xf32, #tpu.memory_space<hbm>>
        tpu.enqueue_indirect_dma source(%dma_start3A_196 : memref<10240x128xf32, #tpu.memory_space<hbm>>) target(%arg9 : memref<120x128xf32, #tpu.memory_space<vmem>>) offsets(%dma_start3A_193 : memref<120xi32, #tpu.memory_space<vmem>>) semaphore(%arg16 : memref<!tpu.dma_semaphore, #tpu.memory_space<semaphore_mem>>)
      } else {
      }
    }
    %scan3A_59 = arith.constant 28 : i32
    %dma_wait3A_60 = arith.constant 0 : i32
    %dma_wait3A_61 = arith.constant 0 : i32
    %dma_wait3A_62 = tpu.memref_slice %arg11[%dma_wait3A_60, %dma_wait3A_61] : memref<10240x128xf32, #tpu.memory_space<vmem_shared>> -> memref<120x128xf32, #tpu.memory_space<vmem_shared>>
    %dma_wait3A_63 = arith.constant 0 : i32
    %dma_wait3A_64 = arith.constant 0 : i32
    %dma_wait3A_65 = tpu.memref_slice %arg11[%dma_wait3A_63, %dma_wait3A_64] : memref<10240x128xf32, #tpu.memory_space<vmem_shared>> -> memref<120x128xf32, #tpu.memory_space<vmem_shared>>
    tpu.wait_dma2 semaphore(%arg20 : memref<!tpu.dma_semaphore, #tpu.memory_space<semaphore_mem>>) src(%arg10 : memref<120x128xf32, #tpu.memory_space<vmem>>) dst(%dma_wait3A_65 : memref<120x128xf32, #tpu.memory_space<vmem_shared>>)
    %barrier3A_66 = arith.constant 0 : index
    tpu.barrier barrier_id(%barrier3A_66)
    %mul3A_67 = arith.constant 640 : i32
    %mul3A_68 = arith.muli %arg1, %mul3A_67 : i32
    %mul3A_69 = arith.constant 10240 : i32
    %mul3A_70 = arith.muli %arg0, %mul3A_69 : i32
    %mul3A_71 = arith.constant 640 : i32
    %mul3A_72 = arith.muli %arg1, %mul3A_71 : i32
    %add3A_73 = arith.addi %mul3A_70, %mul3A_72 : i32
    "tpu.region"() ({
      %run_scoped3A = tpu.sem_alloc : memref<!tpu.dma_semaphore, #tpu.memory_space<semaphore_mem>>
      %dma_start3A_74 = arith.constant 0 : i32
      %dma_start3A_75 = tpu.memref_slice %arg4[%add3A_73, %dma_start3A_74] : memref<20480x128xf32, #tpu.memory_space<hbm>> -> memref<640x128xf32, #tpu.memory_space<hbm>>
      %dma_start3A_76 = arith.constant 0 : i32
      %dma_start3A_77 = tpu.memref_slice %arg11[%mul3A_68, %dma_start3A_76] : memref<10240x128xf32, #tpu.memory_space<vmem_shared>> -> memref<640x128xf32, #tpu.memory_space<vmem_shared>>
      tpu.enqueue_dma source(%dma_start3A_77 : memref<640x128xf32, #tpu.memory_space<vmem_shared>>) target(%dma_start3A_75 : memref<640x128xf32, #tpu.memory_space<hbm>>) target_semaphore(%run_scoped3A : memref<!tpu.dma_semaphore, #tpu.memory_space<semaphore_mem>>)
      %dma_wait3A_78 = arith.constant 0 : i32
      %dma_wait3A_79 = tpu.memref_slice %arg4[%add3A_73, %dma_wait3A_78] : memref<20480x128xf32, #tpu.memory_space<hbm>> -> memref<640x128xf32, #tpu.memory_space<hbm>>
      %dma_wait3A_80 = arith.constant 0 : i32
      %dma_wait3A_81 = tpu.memref_slice %arg11[%mul3A_68, %dma_wait3A_80] : memref<10240x128xf32, #tpu.memory_space<vmem_shared>> -> memref<640x128xf32, #tpu.memory_space<vmem_shared>>
      tpu.wait_dma2 semaphore(%run_scoped3A : memref<!tpu.dma_semaphore, #tpu.memory_space<semaphore_mem>>) src(%dma_wait3A_81 : memref<640x128xf32, #tpu.memory_space<vmem_shared>>) dst(%dma_wait3A_79 : memref<640x128xf32, #tpu.memory_space<hbm>>)
      tpu.yield
    }) : () -> ()
    return
  }
}

#map = affine_map<(d0, d1) -> (0, 0)>
#map1 = affine_map<(d0, d1) -> (0, 0, 0, 0)>
module attributes {stable_mosaic.version = 14 : i64} {
  func.func @k(%arg0: i32, %arg1: i32, %arg2: memref<10240x128xf32, #tpu.memory_space<hbm>>, %arg3: memref<84x32x2x120xi32, #tpu.memory_space<hbm>>, %arg4: memref<20480x128xf32, #tpu.memory_space<hbm>>, %arg5: memref<2x120xi32, #tpu.memory_space<vmem>>, %arg6: memref<2x120xi32, #tpu.memory_space<vmem>>, %arg7: memref<2x120xi32, #tpu.memory_space<vmem>>, %arg8: memref<120x128xf32, #tpu.memory_space<vmem>>, %arg9: memref<120x128xf32, #tpu.memory_space<vmem>>, %arg10: memref<120x128xf32, #tpu.memory_space<vmem>>, %arg11: memref<10240x128xf32, #tpu.memory_space<vmem_shared>>, %arg12: memref<!tpu.dma_semaphore, #tpu.memory_space<semaphore_mem>>, %arg13: memref<!tpu.dma_semaphore, #tpu.memory_space<semaphore_mem>>, %arg14: memref<!tpu.dma_semaphore, #tpu.memory_space<semaphore_mem>>, %arg15: memref<!tpu.dma_semaphore, #tpu.memory_space<semaphore_mem>>, %arg16: memref<!tpu.dma_semaphore, #tpu.memory_space<semaphore_mem>>, %arg17: memref<!tpu.dma_semaphore, #tpu.memory_space<semaphore_mem>>, %arg18: memref<!tpu.dma_semaphore, #tpu.memory_space<semaphore_mem>>, %arg19: memref<!tpu.dma_semaphore, #tpu.memory_space<semaphore_mem>>, %arg20: memref<!tpu.dma_semaphore, #tpu.memory_space<semaphore_mem>>) attributes {dimension_semantics = [#tpu.dimension_semantics<core_parallel>, #tpu.dimension_semantics<subcore_parallel>], iteration_bounds = array<i64: 2, 16>, scalar_prefetch = 0 : i64, scratch_operands = 16 : i64, tpu.core_type = #tpu.core_type<sc_vector_subcore>, window_params = [{transform_indices = #map}, {transform_indices = #map1}, {transform_indices = #map}]} {
    %mul3A = arith.constant 16 : i32
    %mul3A_0 = arith.muli %arg0, %mul3A : i32
    %add3A = arith.addi %mul3A_0, %arg1 : i32
    %mul3A_1 = arith.constant 640 : i32
    %mul3A_2 = arith.muli %arg1, %mul3A_1 : i32
    %mul3A_3 = arith.constant 640 : i32
    %mul3A_4 = arith.muli %arg1, %mul3A_3 : i32
    "tpu.region"() ({
      %run_scoped3A = tpu.sem_alloc : memref<!tpu.dma_semaphore, #tpu.memory_space<semaphore_mem>>
      %dma_start3A_74 = arith.constant 0 : i32
      %dma_start3A_75 = tpu.memref_slice %arg11[%mul3A_4, %dma_start3A_74] : memref<10240x128xf32, #tpu.memory_space<vmem_shared>> -> memref<640x128xf32, #tpu.memory_space<vmem_shared>>
      %dma_start3A_76 = arith.constant 0 : i32
      %dma_start3A_77 = tpu.memref_slice %arg2[%mul3A_2, %dma_start3A_76] : memref<10240x128xf32, #tpu.memory_space<hbm>> -> memref<640x128xf32, #tpu.memory_space<hbm>>
      tpu.enqueue_dma source(%dma_start3A_77 : memref<640x128xf32, #tpu.memory_space<hbm>>) target(%dma_start3A_75 : memref<640x128xf32, #tpu.memory_space<vmem_shared>>) target_semaphore(%run_scoped3A : memref<!tpu.dma_semaphore, #tpu.memory_space<semaphore_mem>>)
      %dma_wait3A_78 = arith.constant 0 : i32
      %dma_wait3A_79 = tpu.memref_slice %arg11[%mul3A_4, %dma_wait3A_78] : memref<10240x128xf32, #tpu.memory_space<vmem_shared>> -> memref<640x128xf32, #tpu.memory_space<vmem_shared>>
      %dma_wait3A_80 = arith.constant 0 : i32
      %dma_wait3A_81 = tpu.memref_slice %arg2[%mul3A_2, %dma_wait3A_80] : memref<10240x128xf32, #tpu.memory_space<hbm>> -> memref<640x128xf32, #tpu.memory_space<hbm>>
      tpu.wait_dma2 semaphore(%run_scoped3A : memref<!tpu.dma_semaphore, #tpu.memory_space<semaphore_mem>>) src(%dma_wait3A_81 : memref<640x128xf32, #tpu.memory_space<hbm>>) dst(%dma_wait3A_79 : memref<640x128xf32, #tpu.memory_space<vmem_shared>>)
      tpu.yield
    }) : () -> ()
    %barrier3A = arith.constant 0 : index
    tpu.barrier barrier_id(%barrier3A)
    %dma_start3A = arith.constant 0 : i32
    %dma_start3A_5 = arith.constant 0 : i32
    %dma_start3A_6 = arith.constant 0 : i32
    %dma_start3A_7 = tpu.memref_slice %arg3[%dma_start3A, %add3A, %dma_start3A_5, %dma_start3A_6] : memref<84x32x2x120xi32, #tpu.memory_space<hbm>> -> memref<1x1x2x120xi32, #tpu.memory_space<hbm>>
    %dma_start3A_8 = tpu.memref_squeeze %dma_start3A_7 : memref<1x1x2x120xi32, #tpu.memory_space<hbm>> -> memref<2x120xi32, #tpu.memory_space<hbm>>
    %dma_start3A_9 = arith.constant 0 : i32
    %dma_start3A_10 = arith.constant 0 : i32
    %dma_start3A_11 = tpu.memref_slice %arg3[%dma_start3A, %add3A, %dma_start3A_9, %dma_start3A_10] : memref<84x32x2x120xi32, #tpu.memory_space<hbm>> -> memref<1x1x2x120xi32, #tpu.memory_space<hbm>>
    %dma_start3A_12 = tpu.memref_squeeze %dma_start3A_11 : memref<1x1x2x120xi32, #tpu.memory_space<hbm>> -> memref<2x120xi32, #tpu.memory_space<hbm>>
    tpu.enqueue_dma source(%dma_start3A_12 : memref<2x120xi32, #tpu.memory_space<hbm>>) target(%arg5 : memref<2x120xi32, #tpu.memory_space<vmem>>) target_semaphore(%arg12 : memref<!tpu.dma_semaphore, #tpu.memory_space<semaphore_mem>>)
    %dma_start3A_13 = arith.constant 1 : i32
    %dma_start3A_14 = arith.constant 0 : i32
    %dma_start3A_15 = arith.constant 0 : i32
    %dma_start3A_16 = tpu.memref_slice %arg3[%dma_start3A_13, %add3A, %dma_start3A_14, %dma_start3A_15] : memref<84x32x2x120xi32, #tpu.memory_space<hbm>> -> memref<1x1x2x120xi32, #tpu.memory_space<hbm>>
    %dma_start3A_17 = tpu.memref_squeeze %dma_start3A_16 : memref<1x1x2x120xi32, #tpu.memory_space<hbm>> -> memref<2x120xi32, #tpu.memory_space<hbm>>
    %dma_start3A_18 = arith.constant 0 : i32
    %dma_start3A_19 = arith.constant 0 : i32
    %dma_start3A_20 = tpu.memref_slice %arg3[%dma_start3A_13, %add3A, %dma_start3A_18, %dma_start3A_19] : memref<84x32x2x120xi32, #tpu.memory_space<hbm>> -> memref<1x1x2x120xi32, #tpu.memory_space<hbm>>
    %dma_start3A_21 = tpu.memref_squeeze %dma_start3A_20 : memref<1x1x2x120xi32, #tpu.memory_space<hbm>> -> memref<2x120xi32, #tpu.memory_space<hbm>>
    tpu.enqueue_dma source(%dma_start3A_21 : memref<2x120xi32, #tpu.memory_space<hbm>>) target(%arg6 : memref<2x120xi32, #tpu.memory_space<vmem>>) target_semaphore(%arg13 : memref<!tpu.dma_semaphore, #tpu.memory_space<semaphore_mem>>)
    %dma_wait3A = arith.constant 0 : i32
    %dma_wait3A_22 = arith.constant 0 : i32
    %dma_wait3A_23 = arith.constant 0 : i32
    %dma_wait3A_24 = arith.constant 0 : i32
    %dma_wait3A_25 = tpu.memref_slice %arg3[%dma_wait3A, %dma_wait3A_22, %dma_wait3A_23, %dma_wait3A_24] : memref<84x32x2x120xi32, #tpu.memory_space<hbm>> -> memref<1x1x2x120xi32, #tpu.memory_space<hbm>>
    %dma_wait3A_26 = tpu.memref_squeeze %dma_wait3A_25 : memref<1x1x2x120xi32, #tpu.memory_space<hbm>> -> memref<2x120xi32, #tpu.memory_space<hbm>>
    %dma_wait3A_27 = arith.constant 0 : i32
    %dma_wait3A_28 = arith.constant 0 : i32
    %dma_wait3A_29 = tpu.memref_slice %arg3[%dma_wait3A, %dma_wait3A_22, %dma_wait3A_27, %dma_wait3A_28] : memref<84x32x2x120xi32, #tpu.memory_space<hbm>> -> memref<1x1x2x120xi32, #tpu.memory_space<hbm>>
    %dma_wait3A_30 = tpu.memref_squeeze %dma_wait3A_29 : memref<1x1x2x120xi32, #tpu.memory_space<hbm>> -> memref<2x120xi32, #tpu.memory_space<hbm>>
    tpu.wait_dma2 semaphore(%arg12 : memref<!tpu.dma_semaphore, #tpu.memory_space<semaphore_mem>>) src(%dma_wait3A_30 : memref<2x120xi32, #tpu.memory_space<hbm>>) dst(%arg5 : memref<2x120xi32, #tpu.memory_space<vmem>>)
    %dma_start3A_31 = arith.constant 0 : i32
    %dma_start3A_32 = arith.constant 0 : i32
    %dma_start3A_33 = tpu.memref_slice %arg5[%dma_start3A_31, %dma_start3A_32] : memref<2x120xi32, #tpu.memory_space<vmem>> -> memref<1x120xi32, #tpu.memory_space<vmem>>
    %dma_start3A_34 = tpu.memref_squeeze %dma_start3A_33 : memref<1x120xi32, #tpu.memory_space<vmem>> -> memref<120xi32, #tpu.memory_space<vmem>>
    %dma_start3A_35 = arith.constant 0 : i32
    %dma_start3A_36 = arith.constant 0 : i32
    %dma_start3A_37 = tpu.memref_slice %arg2[%dma_start3A_35, %dma_start3A_36] : memref<10240x128xf32, #tpu.memory_space<hbm>> -> memref<10240x128xf32, #tpu.memory_space<hbm>>
    tpu.enqueue_indirect_dma source(%dma_start3A_37 : memref<10240x128xf32, #tpu.memory_space<hbm>>) target(%arg8 : memref<120x128xf32, #tpu.memory_space<vmem>>) offsets(%dma_start3A_34 : memref<120xi32, #tpu.memory_space<vmem>>) semaphore(%arg15 : memref<!tpu.dma_semaphore, #tpu.memory_space<semaphore_mem>>)
    %dma_wait3A_38 = arith.constant 0 : i32
    %dma_wait3A_39 = arith.constant 0 : i32
    %dma_wait3A_40 = arith.constant 0 : i32
    %dma_wait3A_41 = arith.constant 0 : i32
    %dma_wait3A_42 = tpu.memref_slice %arg3[%dma_wait3A_38, %dma_wait3A_39, %dma_wait3A_40, %dma_wait3A_41] : memref<84x32x2x120xi32, #tpu.memory_space<hbm>> -> memref<1x1x2x120xi32, #tpu.memory_space<hbm>>
    %dma_wait3A_43 = tpu.memref_squeeze %dma_wait3A_42 : memref<1x1x2x120xi32, #tpu.memory_space<hbm>> -> memref<2x120xi32, #tpu.memory_space<hbm>>
    %dma_wait3A_44 = arith.constant 0 : i32
    %dma_wait3A_45 = arith.constant 0 : i32
    %dma_wait3A_46 = tpu.memref_slice %arg3[%dma_wait3A_38, %dma_wait3A_39, %dma_wait3A_44, %dma_wait3A_45] : memref<84x32x2x120xi32, #tpu.memory_space<hbm>> -> memref<1x1x2x120xi32, #tpu.memory_space<hbm>>
    %dma_wait3A_47 = tpu.memref_squeeze %dma_wait3A_46 : memref<1x1x2x120xi32, #tpu.memory_space<hbm>> -> memref<2x120xi32, #tpu.memory_space<hbm>>
    tpu.wait_dma2 semaphore(%arg13 : memref<!tpu.dma_semaphore, #tpu.memory_space<semaphore_mem>>) src(%dma_wait3A_47 : memref<2x120xi32, #tpu.memory_space<hbm>>) dst(%arg6 : memref<2x120xi32, #tpu.memory_space<vmem>>)
    %dma_start3A_48 = arith.constant 0 : i32
    %dma_start3A_49 = arith.constant 0 : i32
    %dma_start3A_50 = tpu.memref_slice %arg6[%dma_start3A_48, %dma_start3A_49] : memref<2x120xi32, #tpu.memory_space<vmem>> -> memref<1x120xi32, #tpu.memory_space<vmem>>
    %dma_start3A_51 = tpu.memref_squeeze %dma_start3A_50 : memref<1x120xi32, #tpu.memory_space<vmem>> -> memref<120xi32, #tpu.memory_space<vmem>>
    %dma_start3A_52 = arith.constant 0 : i32
    %dma_start3A_53 = arith.constant 0 : i32
    %dma_start3A_54 = tpu.memref_slice %arg2[%dma_start3A_52, %dma_start3A_53] : memref<10240x128xf32, #tpu.memory_space<hbm>> -> memref<10240x128xf32, #tpu.memory_space<hbm>>
    tpu.enqueue_indirect_dma source(%dma_start3A_54 : memref<10240x128xf32, #tpu.memory_space<hbm>>) target(%arg9 : memref<120x128xf32, #tpu.memory_space<vmem>>) offsets(%dma_start3A_51 : memref<120xi32, #tpu.memory_space<vmem>>) semaphore(%arg16 : memref<!tpu.dma_semaphore, #tpu.memory_space<semaphore_mem>>)
    %scan3A = arith.constant 0 : i32
    %scan3A_55 = arith.constant 0 : i32
    %scan3A_56 = arith.constant 28 : i32
    %scan3A_57 = arith.addi %scan3A_55, %scan3A_56 : i32
    %scan3A_58 = arith.constant 1 : i32
    scf.for %scan3A_74 = %scan3A_55 to %scan3A_57 step %scan3A_58  : i32 {
      %mul3A_75 = arith.constant 3 : i32
      %mul3A_76 = arith.muli %mul3A_75, %scan3A_74 : i32
      %dma_wait3A_77 = arith.constant 0 : i32
      %dma_wait3A_78 = arith.constant 0 : i32
      %dma_wait3A_79 = tpu.memref_slice %arg2[%dma_wait3A_77, %dma_wait3A_78] : memref<10240x128xf32, #tpu.memory_space<hbm>> -> memref<120x128xf32, #tpu.memory_space<hbm>>
      %dma_wait3A_80 = arith.constant 0 : i32
      %dma_wait3A_81 = arith.constant 0 : i32
      %dma_wait3A_82 = tpu.memref_slice %arg2[%dma_wait3A_80, %dma_wait3A_81] : memref<10240x128xf32, #tpu.memory_space<hbm>> -> memref<120x128xf32, #tpu.memory_space<hbm>>
      tpu.wait_dma2 semaphore(%arg15 : memref<!tpu.dma_semaphore, #tpu.memory_space<semaphore_mem>>) src(%dma_wait3A_82 : memref<120x128xf32, #tpu.memory_space<hbm>>) dst(%arg8 : memref<120x128xf32, #tpu.memory_space<vmem>>)
      %dma_start3A_83 = arith.constant 1 : i32
      %dma_start3A_84 = arith.constant 0 : i32
      %dma_start3A_85 = tpu.memref_slice %arg5[%dma_start3A_83, %dma_start3A_84] : memref<2x120xi32, #tpu.memory_space<vmem>> -> memref<1x120xi32, #tpu.memory_space<vmem>>
      %dma_start3A_86 = tpu.memref_squeeze %dma_start3A_85 : memref<1x120xi32, #tpu.memory_space<vmem>> -> memref<120xi32, #tpu.memory_space<vmem>>
      %dma_start3A_87 = arith.constant 0 : i32
      %dma_start3A_88 = arith.constant 0 : i32
      %dma_start3A_89 = tpu.memref_slice %arg11[%dma_start3A_87, %dma_start3A_88] : memref<10240x128xf32, #tpu.memory_space<vmem_shared>> -> memref<10240x128xf32, #tpu.memory_space<vmem_shared>>
      tpu.enqueue_indirect_dma source(%arg8 : memref<120x128xf32, #tpu.memory_space<vmem>>) target(%dma_start3A_89 : memref<10240x128xf32, #tpu.memory_space<vmem_shared>>) offsets(%dma_start3A_86 : memref<120xi32, #tpu.memory_space<vmem>>) semaphore(%arg18 : memref<!tpu.dma_semaphore, #tpu.memory_space<semaphore_mem>>) {add = true}
      %gt3A = arith.constant 0 : i32
      %gt3A_90 = arith.cmpi sgt, %scan3A_74, %gt3A : i32
      %convert_element_type3A = arith.extui %gt3A_90 : i1 to i32
      %cond3A = arith.constant 0 : i32
      %cond3A_91 = arith.cmpi ne, %convert_element_type3A, %cond3A : i32
      scf.if %cond3A_91 {
        %dma_wait3A_168 = arith.constant 0 : i32
        %dma_wait3A_169 = arith.constant 0 : i32
        %dma_wait3A_170 = tpu.memref_slice %arg11[%dma_wait3A_168, %dma_wait3A_169] : memref<10240x128xf32, #tpu.memory_space<vmem_shared>> -> memref<120x128xf32, #tpu.memory_space<vmem_shared>>
        %dma_wait3A_171 = arith.constant 0 : i32
        %dma_wait3A_172 = arith.constant 0 : i32
        %dma_wait3A_173 = tpu.memref_slice %arg11[%dma_wait3A_171, %dma_wait3A_172] : memref<10240x128xf32, #tpu.memory_space<vmem_shared>> -> memref<120x128xf32, #tpu.memory_space<vmem_shared>>
        tpu.wait_dma2 semaphore(%arg20 : memref<!tpu.dma_semaphore, #tpu.memory_space<semaphore_mem>>) src(%arg10 : memref<120x128xf32, #tpu.memory_space<vmem>>) dst(%dma_wait3A_173 : memref<120x128xf32, #tpu.memory_space<vmem_shared>>)
      } else {
      }
      %add3A_92 = arith.constant 0 : i32
      %add3A_93 = arith.addi %mul3A_76, %add3A_92 : i32
      %add3A_94 = arith.constant 2 : i32
      %add3A_95 = arith.addi %add3A_93, %add3A_94 : i32
      %dma_start3A_96 = arith.constant 0 : i32
      %dma_start3A_97 = arith.constant 0 : i32
      %dma_start3A_98 = tpu.memref_slice %arg3[%add3A_95, %add3A, %dma_start3A_96, %dma_start3A_97] : memref<84x32x2x120xi32, #tpu.memory_space<hbm>> -> memref<1x1x2x120xi32, #tpu.memory_space<hbm>>
      %dma_start3A_99 = tpu.memref_squeeze %dma_start3A_98 : memref<1x1x2x120xi32, #tpu.memory_space<hbm>> -> memref<2x120xi32, #tpu.memory_space<hbm>>
      %dma_start3A_100 = arith.constant 0 : i32
      %dma_start3A_101 = arith.constant 0 : i32
      %dma_start3A_102 = tpu.memref_slice %arg3[%add3A_95, %add3A, %dma_start3A_100, %dma_start3A_101] : memref<84x32x2x120xi32, #tpu.memory_space<hbm>> -> memref<1x1x2x120xi32, #tpu.memory_space<hbm>>
      %dma_start3A_103 = tpu.memref_squeeze %dma_start3A_102 : memref<1x1x2x120xi32, #tpu.memory_space<hbm>> -> memref<2x120xi32, #tpu.memory_space<hbm>>
      tpu.enqueue_dma source(%dma_start3A_103 : memref<2x120xi32, #tpu.memory_space<hbm>>) target(%arg7 : memref<2x120xi32, #tpu.memory_space<vmem>>) target_semaphore(%arg14 : memref<!tpu.dma_semaphore, #tpu.memory_space<semaphore_mem>>)
      %dma_wait3A_104 = arith.constant 0 : i32
      %dma_wait3A_105 = arith.constant 0 : i32
      %dma_wait3A_106 = arith.constant 0 : i32
      %dma_wait3A_107 = arith.constant 0 : i32
      %dma_wait3A_108 = tpu.memref_slice %arg3[%dma_wait3A_104, %dma_wait3A_105, %dma_wait3A_106, %dma_wait3A_107] : memref<84x32x2x120xi32, #tpu.memory_space<hbm>> -> memref<1x1x2x120xi32, #tpu.memory_space<hbm>>
      %dma_wait3A_109 = tpu.memref_squeeze %dma_wait3A_108 : memref<1x1x2x120xi32, #tpu.memory_space<hbm>> -> memref<2x120xi32, #tpu.memory_space<hbm>>
      %dma_wait3A_110 = arith.constant 0 : i32
      %dma_wait3A_111 = arith.constant 0 : i32
      %dma_wait3A_112 = tpu.memref_slice %arg3[%dma_wait3A_104, %dma_wait3A_105, %dma_wait3A_110, %dma_wait3A_111] : memref<84x32x2x120xi32, #tpu.memory_space<hbm>> -> memref<1x1x2x120xi32, #tpu.memory_space<hbm>>
      %dma_wait3A_113 = tpu.memref_squeeze %dma_wait3A_112 : memref<1x1x2x120xi32, #tpu.memory_space<hbm>> -> memref<2x120xi32, #tpu.memory_space<hbm>>
      tpu.wait_dma2 semaphore(%arg14 : memref<!tpu.dma_semaphore, #tpu.memory_space<semaphore_mem>>) src(%dma_wait3A_113 : memref<2x120xi32, #tpu.memory_space<hbm>>) dst(%arg7 : memref<2x120xi32, #tpu.memory_space<vmem>>)
      %dma_start3A_114 = arith.constant 0 : i32
      %dma_start3A_115 = arith.constant 0 : i32
      %dma_start3A_116 = tpu.memref_slice %arg7[%dma_start3A_114, %dma_start3A_115] : memref<2x120xi32, #tpu.memory_space<vmem>> -> memref<1x120xi32, #tpu.memory_space<vmem>>
      %dma_start3A_117 = tpu.memref_squeeze %dma_start3A_116 : memref<1x120xi32, #tpu.memory_space<vmem>> -> memref<120xi32, #tpu.memory_space<vmem>>
      %dma_start3A_118 = arith.constant 0 : i32
      %dma_start3A_119 = arith.constant 0 : i32
      %dma_start3A_120 = tpu.memref_slice %arg2[%dma_start3A_118, %dma_start3A_119] : memref<10240x128xf32, #tpu.memory_space<hbm>> -> memref<10240x128xf32, #tpu.memory_space<hbm>>
      tpu.enqueue_indirect_dma source(%dma_start3A_120 : memref<10240x128xf32, #tpu.memory_space<hbm>>) target(%arg10 : memref<120x128xf32, #tpu.memory_space<vmem>>) offsets(%dma_start3A_117 : memref<120xi32, #tpu.memory_space<vmem>>) semaphore(%arg17 : memref<!tpu.dma_semaphore, #tpu.memory_space<semaphore_mem>>)
      %dma_wait3A_121 = arith.constant 0 : i32
      %dma_wait3A_122 = arith.constant 0 : i32
      %dma_wait3A_123 = tpu.memref_slice %arg2[%dma_wait3A_121, %dma_wait3A_122] : memref<10240x128xf32, #tpu.memory_space<hbm>> -> memref<120x128xf32, #tpu.memory_space<hbm>>
      %dma_wait3A_124 = arith.constant 0 : i32
      %dma_wait3A_125 = arith.constant 0 : i32
      %dma_wait3A_126 = tpu.memref_slice %arg2[%dma_wait3A_124, %dma_wait3A_125] : memref<10240x128xf32, #tpu.memory_space<hbm>> -> memref<120x128xf32, #tpu.memory_space<hbm>>
      tpu.wait_dma2 semaphore(%arg16 : memref<!tpu.dma_semaphore, #tpu.memory_space<semaphore_mem>>) src(%dma_wait3A_126 : memref<120x128xf32, #tpu.memory_space<hbm>>) dst(%arg9 : memref<120x128xf32, #tpu.memory_space<vmem>>)
      %dma_start3A_127 = arith.constant 1 : i32
      %dma_start3A_128 = arith.constant 0 : i32
      %dma_start3A_129 = tpu.memref_slice %arg6[%dma_start3A_127, %dma_start3A_128] : memref<2x120xi32, #tpu.memory_space<vmem>> -> memref<1x120xi32, #tpu.memory_space<vmem>>
      %dma_start3A_130 = tpu.memref_squeeze %dma_start3A_129 : memref<1x120xi32, #tpu.memory_space<vmem>> -> memref<120xi32, #tpu.memory_space<vmem>>
      %dma_start3A_131 = arith.constant 0 : i32
      %dma_start3A_132 = arith.constant 0 : i32
      %dma_start3A_133 = tpu.memref_slice %arg11[%dma_start3A_131, %dma_start3A_132] : memref<10240x128xf32, #tpu.memory_space<vmem_shared>> -> memref<10240x128xf32, #tpu.memory_space<vmem_shared>>
      tpu.enqueue_indirect_dma source(%arg9 : memref<120x128xf32, #tpu.memory_space<vmem>>) target(%dma_start3A_133 : memref<10240x128xf32, #tpu.memory_space<vmem_shared>>) offsets(%dma_start3A_130 : memref<120xi32, #tpu.memory_space<vmem>>) semaphore(%arg19 : memref<!tpu.dma_semaphore, #tpu.memory_space<semaphore_mem>>) {add = true}
      %dma_wait3A_134 = arith.constant 0 : i32
      %dma_wait3A_135 = arith.constant 0 : i32
      %dma_wait3A_136 = tpu.memref_slice %arg11[%dma_wait3A_134, %dma_wait3A_135] : memref<10240x128xf32, #tpu.memory_space<vmem_shared>> -> memref<120x128xf32, #tpu.memory_space<vmem_shared>>
      %dma_wait3A_137 = arith.constant 0 : i32
      %dma_wait3A_138 = arith.constant 0 : i32
      %dma_wait3A_139 = tpu.memref_slice %arg11[%dma_wait3A_137, %dma_wait3A_138] : memref<10240x128xf32, #tpu.memory_space<vmem_shared>> -> memref<120x128xf32, #tpu.memory_space<vmem_shared>>
      tpu.wait_dma2 semaphore(%arg18 : memref<!tpu.dma_semaphore, #tpu.memory_space<semaphore_mem>>) src(%arg8 : memref<120x128xf32, #tpu.memory_space<vmem>>) dst(%dma_wait3A_139 : memref<120x128xf32, #tpu.memory_space<vmem_shared>>)
      %lt3A = arith.constant 27 : i32
      %lt3A_140 = arith.cmpi slt, %scan3A_74, %lt3A : i32
      %convert_element_type3A_141 = arith.extui %lt3A_140 : i1 to i32
      %cond3A_142 = arith.constant 0 : i32
      %cond3A_143 = arith.cmpi ne, %convert_element_type3A_141, %cond3A_142 : i32
      scf.if %cond3A_143 {
        %add3A_168 = arith.constant 1 : i32
        %add3A_169 = arith.addi %mul3A_76, %add3A_168 : i32
        %add3A_170 = arith.constant 2 : i32
        %add3A_171 = arith.addi %add3A_169, %add3A_170 : i32
        %dma_start3A_172 = arith.constant 0 : i32
        %dma_start3A_173 = arith.constant 0 : i32
        %dma_start3A_174 = tpu.memref_slice %arg3[%add3A_171, %add3A, %dma_start3A_172, %dma_start3A_173] : memref<84x32x2x120xi32, #tpu.memory_space<hbm>> -> memref<1x1x2x120xi32, #tpu.memory_space<hbm>>
        %dma_start3A_175 = tpu.memref_squeeze %dma_start3A_174 : memref<1x1x2x120xi32, #tpu.memory_space<hbm>> -> memref<2x120xi32, #tpu.memory_space<hbm>>
        %dma_start3A_176 = arith.constant 0 : i32
        %dma_start3A_177 = arith.constant 0 : i32
        %dma_start3A_178 = tpu.memref_slice %arg3[%add3A_171, %add3A, %dma_start3A_176, %dma_start3A_177] : memref<84x32x2x120xi32, #tpu.memory_space<hbm>> -> memref<1x1x2x120xi32, #tpu.memory_space<hbm>>
        %dma_start3A_179 = tpu.memref_squeeze %dma_start3A_178 : memref<1x1x2x120xi32, #tpu.memory_space<hbm>> -> memref<2x120xi32, #tpu.memory_space<hbm>>
        tpu.enqueue_dma source(%dma_start3A_179 : memref<2x120xi32, #tpu.memory_space<hbm>>) target(%arg5 : memref<2x120xi32, #tpu.memory_space<vmem>>) target_semaphore(%arg12 : memref<!tpu.dma_semaphore, #tpu.memory_space<semaphore_mem>>)
        %dma_wait3A_180 = arith.constant 0 : i32
        %dma_wait3A_181 = arith.constant 0 : i32
        %dma_wait3A_182 = arith.constant 0 : i32
        %dma_wait3A_183 = arith.constant 0 : i32
        %dma_wait3A_184 = tpu.memref_slice %arg3[%dma_wait3A_180, %dma_wait3A_181, %dma_wait3A_182, %dma_wait3A_183] : memref<84x32x2x120xi32, #tpu.memory_space<hbm>> -> memref<1x1x2x120xi32, #tpu.memory_space<hbm>>
        %dma_wait3A_185 = tpu.memref_squeeze %dma_wait3A_184 : memref<1x1x2x120xi32, #tpu.memory_space<hbm>> -> memref<2x120xi32, #tpu.memory_space<hbm>>
        %dma_wait3A_186 = arith.constant 0 : i32
        %dma_wait3A_187 = arith.constant 0 : i32
        %dma_wait3A_188 = tpu.memref_slice %arg3[%dma_wait3A_180, %dma_wait3A_181, %dma_wait3A_186, %dma_wait3A_187] : memref<84x32x2x120xi32, #tpu.memory_space<hbm>> -> memref<1x1x2x120xi32, #tpu.memory_space<hbm>>
        %dma_wait3A_189 = tpu.memref_squeeze %dma_wait3A_188 : memref<1x1x2x120xi32, #tpu.memory_space<hbm>> -> memref<2x120xi32, #tpu.memory_space<hbm>>
        tpu.wait_dma2 semaphore(%arg12 : memref<!tpu.dma_semaphore, #tpu.memory_space<semaphore_mem>>) src(%dma_wait3A_189 : memref<2x120xi32, #tpu.memory_space<hbm>>) dst(%arg5 : memref<2x120xi32, #tpu.memory_space<vmem>>)
        %dma_start3A_190 = arith.constant 0 : i32
        %dma_start3A_191 = arith.constant 0 : i32
        %dma_start3A_192 = tpu.memref_slice %arg5[%dma_start3A_190, %dma_start3A_191] : memref<2x120xi32, #tpu.memory_space<vmem>> -> memref<1x120xi32, #tpu.memory_space<vmem>>
        %dma_start3A_193 = tpu.memref_squeeze %dma_start3A_192 : memref<1x120xi32, #tpu.memory_space<vmem>> -> memref<120xi32, #tpu.memory_space<vmem>>
        %dma_start3A_194 = arith.constant 0 : i32
        %dma_start3A_195 = arith.constant 0 : i32
        %dma_start3A_196 = tpu.memref_slice %arg2[%dma_start3A_194, %dma_start3A_195] : memref<10240x128xf32, #tpu.memory_space<hbm>> -> memref<10240x128xf32, #tpu.memory_space<hbm>>
        tpu.enqueue_indirect_dma source(%dma_start3A_196 : memref<10240x128xf32, #tpu.memory_space<hbm>>) target(%arg8 : memref<120x128xf32, #tpu.memory_space<vmem>>) offsets(%dma_start3A_193 : memref<120xi32, #tpu.memory_space<vmem>>) semaphore(%arg15 : memref<!tpu.dma_semaphore, #tpu.memory_space<semaphore_mem>>)
      } else {
      }
      %dma_wait3A_144 = arith.constant 0 : i32
      %dma_wait3A_145 = arith.constant 0 : i32
      %dma_wait3A_146 = tpu.memref_slice %arg2[%dma_wait3A_144, %dma_wait3A_145] : memref<10240x128xf32, #tpu.memory_space<hbm>> -> memref<120x128xf32, #tpu.memory_space<hbm>>
      %dma_wait3A_147 = arith.constant 0 : i32
      %dma_wait3A_148 = arith.constant 0 : i32
      %dma_wait3A_149 = tpu.memref_slice %arg2[%dma_wait3A_147, %dma_wait3A_148] : memref<10240x128xf32, #tpu.memory_space<hbm>> -> memref<120x128xf32, #tpu.memory_space<hbm>>
      tpu.wait_dma2 semaphore(%arg17 : memref<!tpu.dma_semaphore, #tpu.memory_space<semaphore_mem>>) src(%dma_wait3A_149 : memref<120x128xf32, #tpu.memory_space<hbm>>) dst(%arg10 : memref<120x128xf32, #tpu.memory_space<vmem>>)
      %dma_start3A_150 = arith.constant 1 : i32
      %dma_start3A_151 = arith.constant 0 : i32
      %dma_start3A_152 = tpu.memref_slice %arg7[%dma_start3A_150, %dma_start3A_151] : memref<2x120xi32, #tpu.memory_space<vmem>> -> memref<1x120xi32, #tpu.memory_space<vmem>>
      %dma_start3A_153 = tpu.memref_squeeze %dma_start3A_152 : memref<1x120xi32, #tpu.memory_space<vmem>> -> memref<120xi32, #tpu.memory_space<vmem>>
      %dma_start3A_154 = arith.constant 0 : i32
      %dma_start3A_155 = arith.constant 0 : i32
      %dma_start3A_156 = tpu.memref_slice %arg11[%dma_start3A_154, %dma_start3A_155] : memref<10240x128xf32, #tpu.memory_space<vmem_shared>> -> memref<10240x128xf32, #tpu.memory_space<vmem_shared>>
      tpu.enqueue_indirect_dma source(%arg10 : memref<120x128xf32, #tpu.memory_space<vmem>>) target(%dma_start3A_156 : memref<10240x128xf32, #tpu.memory_space<vmem_shared>>) offsets(%dma_start3A_153 : memref<120xi32, #tpu.memory_space<vmem>>) semaphore(%arg20 : memref<!tpu.dma_semaphore, #tpu.memory_space<semaphore_mem>>) {add = true}
      %dma_wait3A_157 = arith.constant 0 : i32
      %dma_wait3A_158 = arith.constant 0 : i32
      %dma_wait3A_159 = tpu.memref_slice %arg11[%dma_wait3A_157, %dma_wait3A_158] : memref<10240x128xf32, #tpu.memory_space<vmem_shared>> -> memref<120x128xf32, #tpu.memory_space<vmem_shared>>
      %dma_wait3A_160 = arith.constant 0 : i32
      %dma_wait3A_161 = arith.constant 0 : i32
      %dma_wait3A_162 = tpu.memref_slice %arg11[%dma_wait3A_160, %dma_wait3A_161] : memref<10240x128xf32, #tpu.memory_space<vmem_shared>> -> memref<120x128xf32, #tpu.memory_space<vmem_shared>>
      tpu.wait_dma2 semaphore(%arg19 : memref<!tpu.dma_semaphore, #tpu.memory_space<semaphore_mem>>) src(%arg9 : memref<120x128xf32, #tpu.memory_space<vmem>>) dst(%dma_wait3A_162 : memref<120x128xf32, #tpu.memory_space<vmem_shared>>)
      %lt3A_163 = arith.constant 27 : i32
      %lt3A_164 = arith.cmpi slt, %scan3A_74, %lt3A_163 : i32
      %convert_element_type3A_165 = arith.extui %lt3A_164 : i1 to i32
      %cond3A_166 = arith.constant 0 : i32
      %cond3A_167 = arith.cmpi ne, %convert_element_type3A_165, %cond3A_166 : i32
      scf.if %cond3A_167 {
        %add3A_168 = arith.constant 2 : i32
        %add3A_169 = arith.addi %mul3A_76, %add3A_168 : i32
        %add3A_170 = arith.constant 2 : i32
        %add3A_171 = arith.addi %add3A_169, %add3A_170 : i32
        %dma_start3A_172 = arith.constant 0 : i32
        %dma_start3A_173 = arith.constant 0 : i32
        %dma_start3A_174 = tpu.memref_slice %arg3[%add3A_171, %add3A, %dma_start3A_172, %dma_start3A_173] : memref<84x32x2x120xi32, #tpu.memory_space<hbm>> -> memref<1x1x2x120xi32, #tpu.memory_space<hbm>>
        %dma_start3A_175 = tpu.memref_squeeze %dma_start3A_174 : memref<1x1x2x120xi32, #tpu.memory_space<hbm>> -> memref<2x120xi32, #tpu.memory_space<hbm>>
        %dma_start3A_176 = arith.constant 0 : i32
        %dma_start3A_177 = arith.constant 0 : i32
        %dma_start3A_178 = tpu.memref_slice %arg3[%add3A_171, %add3A, %dma_start3A_176, %dma_start3A_177] : memref<84x32x2x120xi32, #tpu.memory_space<hbm>> -> memref<1x1x2x120xi32, #tpu.memory_space<hbm>>
        %dma_start3A_179 = tpu.memref_squeeze %dma_start3A_178 : memref<1x1x2x120xi32, #tpu.memory_space<hbm>> -> memref<2x120xi32, #tpu.memory_space<hbm>>
        tpu.enqueue_dma source(%dma_start3A_179 : memref<2x120xi32, #tpu.memory_space<hbm>>) target(%arg6 : memref<2x120xi32, #tpu.memory_space<vmem>>) target_semaphore(%arg13 : memref<!tpu.dma_semaphore, #tpu.memory_space<semaphore_mem>>)
        %dma_wait3A_180 = arith.constant 0 : i32
        %dma_wait3A_181 = arith.constant 0 : i32
        %dma_wait3A_182 = arith.constant 0 : i32
        %dma_wait3A_183 = arith.constant 0 : i32
        %dma_wait3A_184 = tpu.memref_slice %arg3[%dma_wait3A_180, %dma_wait3A_181, %dma_wait3A_182, %dma_wait3A_183] : memref<84x32x2x120xi32, #tpu.memory_space<hbm>> -> memref<1x1x2x120xi32, #tpu.memory_space<hbm>>
        %dma_wait3A_185 = tpu.memref_squeeze %dma_wait3A_184 : memref<1x1x2x120xi32, #tpu.memory_space<hbm>> -> memref<2x120xi32, #tpu.memory_space<hbm>>
        %dma_wait3A_186 = arith.constant 0 : i32
        %dma_wait3A_187 = arith.constant 0 : i32
        %dma_wait3A_188 = tpu.memref_slice %arg3[%dma_wait3A_180, %dma_wait3A_181, %dma_wait3A_186, %dma_wait3A_187] : memref<84x32x2x120xi32, #tpu.memory_space<hbm>> -> memref<1x1x2x120xi32, #tpu.memory_space<hbm>>
        %dma_wait3A_189 = tpu.memref_squeeze %dma_wait3A_188 : memref<1x1x2x120xi32, #tpu.memory_space<hbm>> -> memref<2x120xi32, #tpu.memory_space<hbm>>
        tpu.wait_dma2 semaphore(%arg13 : memref<!tpu.dma_semaphore, #tpu.memory_space<semaphore_mem>>) src(%dma_wait3A_189 : memref<2x120xi32, #tpu.memory_space<hbm>>) dst(%arg6 : memref<2x120xi32, #tpu.memory_space<vmem>>)
        %dma_start3A_190 = arith.constant 0 : i32
        %dma_start3A_191 = arith.constant 0 : i32
        %dma_start3A_192 = tpu.memref_slice %arg6[%dma_start3A_190, %dma_start3A_191] : memref<2x120xi32, #tpu.memory_space<vmem>> -> memref<1x120xi32, #tpu.memory_space<vmem>>
        %dma_start3A_193 = tpu.memref_squeeze %dma_start3A_192 : memref<1x120xi32, #tpu.memory_space<vmem>> -> memref<120xi32, #tpu.memory_space<vmem>>
        %dma_start3A_194 = arith.constant 0 : i32
        %dma_start3A_195 = arith.constant 0 : i32
        %dma_start3A_196 = tpu.memref_slice %arg2[%dma_start3A_194, %dma_start3A_195] : memref<10240x128xf32, #tpu.memory_space<hbm>> -> memref<10240x128xf32, #tpu.memory_space<hbm>>
        tpu.enqueue_indirect_dma source(%dma_start3A_196 : memref<10240x128xf32, #tpu.memory_space<hbm>>) target(%arg9 : memref<120x128xf32, #tpu.memory_space<vmem>>) offsets(%dma_start3A_193 : memref<120xi32, #tpu.memory_space<vmem>>) semaphore(%arg16 : memref<!tpu.dma_semaphore, #tpu.memory_space<semaphore_mem>>)
      } else {
      }
    }
    %scan3A_59 = arith.constant 28 : i32
    %dma_wait3A_60 = arith.constant 0 : i32
    %dma_wait3A_61 = arith.constant 0 : i32
    %dma_wait3A_62 = tpu.memref_slice %arg11[%dma_wait3A_60, %dma_wait3A_61] : memref<10240x128xf32, #tpu.memory_space<vmem_shared>> -> memref<120x128xf32, #tpu.memory_space<vmem_shared>>
    %dma_wait3A_63 = arith.constant 0 : i32
    %dma_wait3A_64 = arith.constant 0 : i32
    %dma_wait3A_65 = tpu.memref_slice %arg11[%dma_wait3A_63, %dma_wait3A_64] : memref<10240x128xf32, #tpu.memory_space<vmem_shared>> -> memref<120x128xf32, #tpu.memory_space<vmem_shared>>
    tpu.wait_dma2 semaphore(%arg20 : memref<!tpu.dma_semaphore, #tpu.memory_space<semaphore_mem>>) src(%arg10 : memref<120x128xf32, #tpu.memory_space<vmem>>) dst(%dma_wait3A_65 : memref<120x128xf32, #tpu.memory_space<vmem_shared>>)
    %barrier3A_66 = arith.constant 0 : index
    tpu.barrier barrier_id(%barrier3A_66)
    %mul3A_67 = arith.constant 640 : i32
    %mul3A_68 = arith.muli %arg1, %mul3A_67 : i32
    %mul3A_69 = arith.constant 10240 : i32
    %mul3A_70 = arith.muli %arg0, %mul3A_69 : i32
    %mul3A_71 = arith.constant 640 : i32
    %mul3A_72 = arith.muli %arg1, %mul3A_71 : i32
    %add3A_73 = arith.addi %mul3A_70, %mul3A_72 : i32
    "tpu.region"() ({
      %run_scoped3A = tpu.sem_alloc : memref<!tpu.dma_semaphore, #tpu.memory_space<semaphore_mem>>
      %dma_start3A_74 = arith.constant 0 : i32
      %dma_start3A_75 = tpu.memref_slice %arg4[%add3A_73, %dma_start3A_74] : memref<20480x128xf32, #tpu.memory_space<hbm>> -> memref<640x128xf32, #tpu.memory_space<hbm>>
      %dma_start3A_76 = arith.constant 0 : i32
      %dma_start3A_77 = tpu.memref_slice %arg11[%mul3A_68, %dma_start3A_76] : memref<10240x128xf32, #tpu.memory_space<vmem_shared>> -> memref<640x128xf32, #tpu.memory_space<vmem_shared>>
      tpu.enqueue_dma source(%dma_start3A_77 : memref<640x128xf32, #tpu.memory_space<vmem_shared>>) target(%dma_start3A_75 : memref<640x128xf32, #tpu.memory_space<hbm>>) target_semaphore(%run_scoped3A : memref<!tpu.dma_semaphore, #tpu.memory_space<semaphore_mem>>)
      %dma_wait3A_78 = arith.constant 0 : i32
      %dma_wait3A_79 = tpu.memref_slice %arg4[%add3A_73, %dma_wait3A_78] : memref<20480x128xf32, #tpu.memory_space<hbm>> -> memref<640x128xf32, #tpu.memory_space<hbm>>
      %dma_wait3A_80 = arith.constant 0 : i32
      %dma_wait3A_81 = tpu.memref_slice %arg11[%mul3A_68, %dma_wait3A_80] : memref<10240x128xf32, #tpu.memory_space<vmem_shared>> -> memref<640x128xf32, #tpu.memory_space<vmem_shared>>
      tpu.wait_dma2 semaphore(%run_scoped3A : memref<!tpu.dma_semaphore, #tpu.memory_space<semaphore_mem>>) src(%dma_wait3A_81 : memref<640x128xf32, #tpu.memory_space<vmem_shared>>) dst(%dma_wait3A_79 : memref<640x128xf32, #tpu.memory_space<hbm>>)
      tpu.yield
    }) : () -> ()
    return
  }
}

module attributes {stable_mosaic.version = 14 : i64} {
  func.func @body(%arg0: i32, %arg1: memref<1x1xf32, #tpu.memory_space<smem>>, %arg2: memref<1024x128xf32, #tpu.memory_space<vmem>>, %arg3: memref<1024x128xf32, #tpu.memory_space<vmem>>, %arg4: memref<1024x128xf32, #tpu.memory_space<vmem>>, %arg5: memref<128x128xf32, #tpu.memory_space<vmem>>, %arg6: memref<1x128xf32, #tpu.memory_space<vmem>>, %arg7: memref<128x128xf32, #tpu.memory_space<vmem>>, %arg8: memref<1x128xf32, #tpu.memory_space<vmem>>, %arg9: memref<1024x128xf32, #tpu.memory_space<vmem>>) attributes {dimension_semantics = [#tpu.dimension_semantics<arbitrary>], iteration_bounds = array<i64: 10>, scalar_prefetch = 0 : i64, scratch_operands = 0 : i64, tpu.core_type = #tpu.core_type<tc>, window_params = [{transform_indices = @transform_0, window_bounds = array<i64: 1, 1>}, {transform_indices = @transform_1, window_bounds = array<i64: 1024, 128>}, {transform_indices = @transform_2, window_bounds = array<i64: 1024, 128>}, {transform_indices = @transform_3, window_bounds = array<i64: 1024, 128>}, {pipeline_mode = #tpu.pipeline_mode<synchronous>, transform_indices = @transform_4, window_bounds = array<i64: 128, 128>}, {pipeline_mode = #tpu.pipeline_mode<synchronous>, transform_indices = @transform_5, window_bounds = array<i64: 1, 128>}, {pipeline_mode = #tpu.pipeline_mode<synchronous>, transform_indices = @transform_6, window_bounds = array<i64: 128, 128>}, {pipeline_mode = #tpu.pipeline_mode<synchronous>, transform_indices = @transform_7, window_bounds = array<i64: 1, 128>}, {transform_indices = @transform_8, window_bounds = array<i64: 1024, 128>}]} {
    %get3A = arith.constant 0 : index
    %get3A_0 = arith.constant 0 : index
    %get3A_1 = vector.load %arg2[%get3A, %get3A_0] : memref<1024x128xf32, #tpu.memory_space<vmem>>, vector<1024x128xf32>
    %get3A_2 = arith.constant 0 : index
    %get3A_3 = arith.constant 0 : index
    %get3A_4 = memref.load %arg1[%get3A_2, %get3A_3] : memref<1x1xf32, #tpu.memory_space<smem>>
    %mul3A = vector.broadcast %get3A_4 : f32 to vector<1024x128xf32>
    %mul3A_5 = arith.mulf %get3A_1, %mul3A : vector<1024x128xf32>
    %get3A_6 = arith.constant 0 : index
    %get3A_7 = arith.constant 0 : index
    %get3A_8 = vector.load %arg3[%get3A_6, %get3A_7] : memref<1024x128xf32, #tpu.memory_space<vmem>>, vector<1024x128xf32>
    %add3A = arith.addf %mul3A_5, %get3A_8 : vector<1024x128xf32>
    %get3A_9 = arith.constant 0 : index
    %get3A_10 = arith.constant 0 : index
    %get3A_11 = vector.load %arg4[%get3A_9, %get3A_10] : memref<1024x128xf32, #tpu.memory_space<vmem>>, vector<1024x128xf32>
    %add3A_12 = arith.addf %add3A, %get3A_11 : vector<1024x128xf32>
    %get3A_13 = arith.constant 0 : index
    %get3A_14 = arith.constant 0 : index
    %get3A_15 = vector.load %arg5[%get3A_13, %get3A_14] : memref<128x128xf32, #tpu.memory_space<vmem>>, vector<128x128xf32>
    %dot_general3A = arith.constant dense<0.000000e+00> : vector<1024x128xf32>
    %dot_general3A_16 = tpu.matmul %add3A_12, %get3A_15, %dot_general3A {dimension_numbers = #tpu.dot_dimension_numbers<[1], [0], [0], [1], [0, 0, 1, 1], [], []>, transpose_lhs_hint = false} : vector<1024x128xf32>, vector<128x128xf32>, vector<1024x128xf32> -> vector<1024x128xf32>
    %get3A_17 = arith.constant 0 : index
    %get3A_18 = arith.constant 0 : index
    %get3A_19 = vector.load %arg6[%get3A_17, %get3A_18] : memref<1x128xf32, #tpu.memory_space<vmem>>, vector<1x128xf32>
    %add3A_20 = vector.broadcast %get3A_19 : vector<1x128xf32> to vector<1024x128xf32>
    %add3A_21 = arith.addf %dot_general3A_16, %add3A_20 : vector<1024x128xf32>
    %max3A = arith.constant 0.000000e+00 : f32
    %max3A_22 = vector.broadcast %max3A : f32 to vector<1024x128xf32>
    %max3A_23 = arith.maximumf %add3A_21, %max3A_22 : vector<1024x128xf32>
    %get3A_24 = arith.constant 0 : index
    %get3A_25 = arith.constant 0 : index
    %get3A_26 = vector.load %arg7[%get3A_24, %get3A_25] : memref<128x128xf32, #tpu.memory_space<vmem>>, vector<128x128xf32>
    %dot_general3A_27 = arith.constant dense<0.000000e+00> : vector<1024x128xf32>
    %dot_general3A_28 = tpu.matmul %max3A_23, %get3A_26, %dot_general3A_27 {dimension_numbers = #tpu.dot_dimension_numbers<[1], [0], [0], [1], [0, 0, 1, 1], [], []>, transpose_lhs_hint = false} : vector<1024x128xf32>, vector<128x128xf32>, vector<1024x128xf32> -> vector<1024x128xf32>
    %get3A_29 = arith.constant 0 : index
    %get3A_30 = arith.constant 0 : index
    %get3A_31 = vector.load %arg8[%get3A_29, %get3A_30] : memref<1x128xf32, #tpu.memory_space<vmem>>, vector<1x128xf32>
    %add3A_32 = vector.broadcast %get3A_31 : vector<1x128xf32> to vector<1024x128xf32>
    %add3A_33 = arith.addf %dot_general3A_28, %add3A_32 : vector<1024x128xf32>
    %max3A_34 = arith.constant 0.000000e+00 : f32
    %max3A_35 = vector.broadcast %max3A_34 : f32 to vector<1024x128xf32>
    %max3A_36 = arith.maximumf %add3A_33, %max3A_35 : vector<1024x128xf32>
    %swap3A = arith.constant 0 : index
    %swap3A_37 = arith.constant 0 : index
    %swap3A_38 = vector.load %arg9[%swap3A, %swap3A_37] : memref<1024x128xf32, #tpu.memory_space<vmem>>, vector<1024x128xf32>
    tpu.vector_store %arg9[%swap3A, %swap3A_37], %max3A_36 {strides = array<i32>} : memref<1024x128xf32, #tpu.memory_space<vmem>>, vector<1024x128xf32>,
    return
  }
  func.func @transform_0(%arg0: i32) -> (i32, i32) {
    %c0_i32 = arith.constant 0 : i32
    %c0_i32_0 = arith.constant 0 : i32
    %c0_i32_1 = arith.constant 0 : i32
    return %c0_i32, %c0_i32_0 : i32, i32
  }
  func.func @transform_1(%arg0: i32) -> (i32, i32) {
    %c0_i32 = arith.constant 0 : i32
    %c0_i32_0 = arith.constant 0 : i32
    return %arg0, %c0_i32 : i32, i32
  }
  func.func @transform_2(%arg0: i32) -> (i32, i32) {
    %c0_i32 = arith.constant 0 : i32
    %c0_i32_0 = arith.constant 0 : i32
    return %arg0, %c0_i32 : i32, i32
  }
  func.func @transform_3(%arg0: i32) -> (i32, i32) {
    %add3A = arith.constant 10 : i32
    %add3A_0 = arith.addi %arg0, %add3A : i32
    %c0_i32 = arith.constant 0 : i32
    %c0_i32_1 = arith.constant 0 : i32
    return %add3A_0, %c0_i32 : i32, i32
  }
  func.func @transform_4(%arg0: i32) -> (i32, i32) {
    %c0_i32 = arith.constant 0 : i32
    %c0_i32_0 = arith.constant 0 : i32
    %c0_i32_1 = arith.constant 0 : i32
    return %c0_i32, %c0_i32_0 : i32, i32
  }
  func.func @transform_5(%arg0: i32) -> (i32, i32) {
    %c0_i32 = arith.constant 0 : i32
    %c0_i32_0 = arith.constant 0 : i32
    %c0_i32_1 = arith.constant 0 : i32
    return %c0_i32, %c0_i32_0 : i32, i32
  }
  func.func @transform_6(%arg0: i32) -> (i32, i32) {
    %c0_i32 = arith.constant 0 : i32
    %c0_i32_0 = arith.constant 0 : i32
    %c0_i32_1 = arith.constant 0 : i32
    return %c0_i32, %c0_i32_0 : i32, i32
  }
  func.func @transform_7(%arg0: i32) -> (i32, i32) {
    %c0_i32 = arith.constant 0 : i32
    %c0_i32_0 = arith.constant 0 : i32
    %c0_i32_1 = arith.constant 0 : i32
    return %c0_i32, %c0_i32_0 : i32, i32
  }
  func.func @transform_8(%arg0: i32) -> (i32, i32) {
    %c0_i32 = arith.constant 0 : i32
    %c0_i32_0 = arith.constant 0 : i32
    return %arg0, %c0_i32 : i32, i32
  }
}

module attributes {stable_mosaic.version = 14 : i64} {
  func.func @body(%arg0: i32, %arg1: memref<1x1xf32, #tpu.memory_space<smem>>, %arg2: memref<1024x128xf32, #tpu.memory_space<vmem>>, %arg3: memref<1024x128xf32, #tpu.memory_space<vmem>>, %arg4: memref<1024x128xf32, #tpu.memory_space<vmem>>, %arg5: memref<128x128xf32, #tpu.memory_space<vmem>>, %arg6: memref<1x128xf32, #tpu.memory_space<vmem>>, %arg7: memref<128x128xf32, #tpu.memory_space<vmem>>, %arg8: memref<1x128xf32, #tpu.memory_space<vmem>>, %arg9: memref<1x1x1024xi32, #tpu.memory_space<vmem>>, %arg10: memref<64x128xf32, #tpu.memory_space<vmem>>) attributes {dimension_semantics = [#tpu.dimension_semantics<arbitrary>], iteration_bounds = array<i64: 10>, scalar_prefetch = 0 : i64, scratch_operands = 0 : i64, tpu.core_type = #tpu.core_type<tc>, window_params = [{transform_indices = @transform_0, window_bounds = array<i64: 1, 1>}, {transform_indices = @transform_1, window_bounds = array<i64: 1024, 128>}, {transform_indices = @transform_2, window_bounds = array<i64: 1024, 128>}, {transform_indices = @transform_3, window_bounds = array<i64: 1024, 128>}, {pipeline_mode = #tpu.pipeline_mode<synchronous>, transform_indices = @transform_4, window_bounds = array<i64: 128, 128>}, {pipeline_mode = #tpu.pipeline_mode<synchronous>, transform_indices = @transform_5, window_bounds = array<i64: 1, 128>}, {pipeline_mode = #tpu.pipeline_mode<synchronous>, transform_indices = @transform_6, window_bounds = array<i64: 128, 128>}, {pipeline_mode = #tpu.pipeline_mode<synchronous>, transform_indices = @transform_7, window_bounds = array<i64: 1, 128>}, {transform_indices = @transform_8, window_bounds = array<i64: 1, 1, 1024>}, {pipeline_mode = #tpu.pipeline_mode<synchronous>, transform_indices = @transform_9, window_bounds = array<i64: 64, 128>}]} {
    %get3A = arith.constant 0 : index
    %get3A_0 = arith.constant 0 : index
    %get3A_1 = vector.load %arg2[%get3A, %get3A_0] : memref<1024x128xf32, #tpu.memory_space<vmem>>, vector<1024x128xf32>
    %get3A_2 = arith.constant 0 : index
    %get3A_3 = arith.constant 0 : index
    %get3A_4 = memref.load %arg1[%get3A_2, %get3A_3] : memref<1x1xf32, #tpu.memory_space<smem>>
    %mul3A = vector.broadcast %get3A_4 : f32 to vector<1024x128xf32>
    %mul3A_5 = arith.mulf %get3A_1, %mul3A : vector<1024x128xf32>
    %get3A_6 = arith.constant 0 : index
    %get3A_7 = arith.constant 0 : index
    %get3A_8 = vector.load %arg3[%get3A_6, %get3A_7] : memref<1024x128xf32, #tpu.memory_space<vmem>>, vector<1024x128xf32>
    %add3A = arith.addf %mul3A_5, %get3A_8 : vector<1024x128xf32>
    %get3A_9 = arith.constant 0 : index
    %get3A_10 = arith.constant 0 : index
    %get3A_11 = vector.load %arg4[%get3A_9, %get3A_10] : memref<1024x128xf32, #tpu.memory_space<vmem>>, vector<1024x128xf32>
    %add3A_12 = arith.addf %add3A, %get3A_11 : vector<1024x128xf32>
    %get3A_13 = arith.constant 0 : index
    %get3A_14 = arith.constant 0 : index
    %get3A_15 = vector.load %arg5[%get3A_13, %get3A_14] : memref<128x128xf32, #tpu.memory_space<vmem>>, vector<128x128xf32>
    %dot_general3A = arith.constant dense<0.000000e+00> : vector<1024x128xf32>
    %dot_general3A_16 = tpu.matmul %add3A_12, %get3A_15, %dot_general3A {dimension_numbers = #tpu.dot_dimension_numbers<[1], [0], [0], [1], [0, 0, 1, 1], [], []>, transpose_lhs_hint = false} : vector<1024x128xf32>, vector<128x128xf32>, vector<1024x128xf32> -> vector<1024x128xf32>
    %get3A_17 = arith.constant 0 : index
    %get3A_18 = arith.constant 0 : index
    %get3A_19 = vector.load %arg6[%get3A_17, %get3A_18] : memref<1x128xf32, #tpu.memory_space<vmem>>, vector<1x128xf32>
    %add3A_20 = vector.broadcast %get3A_19 : vector<1x128xf32> to vector<1024x128xf32>
    %add3A_21 = arith.addf %dot_general3A_16, %add3A_20 : vector<1024x128xf32>
    %max3A = arith.constant 0.000000e+00 : f32
    %max3A_22 = vector.broadcast %max3A : f32 to vector<1024x128xf32>
    %max3A_23 = arith.maximumf %add3A_21, %max3A_22 : vector<1024x128xf32>
    %get3A_24 = arith.constant 0 : index
    %get3A_25 = arith.constant 0 : index
    %get3A_26 = vector.load %arg7[%get3A_24, %get3A_25] : memref<128x128xf32, #tpu.memory_space<vmem>>, vector<128x128xf32>
    %dot_general3A_27 = arith.constant dense<0.000000e+00> : vector<1024x128xf32>
    %dot_general3A_28 = tpu.matmul %max3A_23, %get3A_26, %dot_general3A_27 {dimension_numbers = #tpu.dot_dimension_numbers<[1], [0], [0], [1], [0, 0, 1, 1], [], []>, transpose_lhs_hint = false} : vector<1024x128xf32>, vector<128x128xf32>, vector<1024x128xf32> -> vector<1024x128xf32>
    %get3A_29 = arith.constant 0 : index
    %get3A_30 = arith.constant 0 : index
    %get3A_31 = vector.load %arg8[%get3A_29, %get3A_30] : memref<1x128xf32, #tpu.memory_space<vmem>>, vector<1x128xf32>
    %add3A_32 = vector.broadcast %get3A_31 : vector<1x128xf32> to vector<1024x128xf32>
    %add3A_33 = arith.addf %dot_general3A_28, %add3A_32 : vector<1024x128xf32>
    %get3A_34 = arith.constant 0 : index
    %get3A_35 = arith.constant 0 : index
    %get3A_36 = arith.constant 0 : index
    %get3A_37 = vector.load %arg9[%get3A_34, %get3A_35, %get3A_36] : memref<1x1x1024xi32, #tpu.memory_space<vmem>>, vector<1x1x1024xi32>
    %get3A_38 = vector.shape_cast %get3A_37 : vector<1x1x1024xi32> to vector<1x1024xi32>
    %iota3A = tpu.iota {dimensions = array<i32: 0>} : vector<64x1024xi32>
    %eq3A = vector.broadcast %get3A_38 : vector<1x1024xi32> to vector<64x1024xi32>
    %eq3A_39 = arith.cmpi eq, %iota3A, %eq3A : vector<64x1024xi32>
    %convert_element_type3A = arith.extui %eq3A_39 : vector<64x1024xi1> to vector<64x1024xi32>
    %convert_element_type3A_40 = arith.sitofp %convert_element_type3A : vector<64x1024xi32> to vector<64x1024xf32>
    %dot_general3A_41 = arith.constant dense<0.000000e+00> : vector<64x128xf32>
    %dot_general3A_42 = tpu.matmul %convert_element_type3A_40, %add3A_33, %dot_general3A_41 {dimension_numbers = #tpu.dot_dimension_numbers<[1], [0], [0], [1], [0, 0, 1, 1], [], []>, transpose_lhs_hint = false} : vector<64x1024xf32>, vector<1024x128xf32>, vector<64x128xf32> -> vector<64x128xf32>
    %eq3A_43 = arith.constant 0 : i32
    %eq3A_44 = arith.cmpi eq, %arg0, %eq3A_43 : i32
    %convert_element_type3A_45 = arith.extui %eq3A_44 : i1 to i32
    %cond3A = arith.constant 0 : i32
    %cond3A_46 = arith.cmpi ne, %convert_element_type3A_45, %cond3A : i32
    scf.if %cond3A_46 {
      %broadcast_in_dim3A = arith.constant 0.000000e+00 : f32
      %broadcast_in_dim3A_53 = vector.broadcast %broadcast_in_dim3A : f32 to vector<64x128xf32>
      %swap3A_54 = arith.constant 0 : index
      %swap3A_55 = arith.constant 0 : index
      %swap3A_56 = vector.load %arg10[%swap3A_54, %swap3A_55] : memref<64x128xf32, #tpu.memory_space<vmem>>, vector<64x128xf32>
      tpu.vector_store %arg10[%swap3A_54, %swap3A_55], %broadcast_in_dim3A_53 {strides = array<i32>} : memref<64x128xf32, #tpu.memory_space<vmem>>, vector<64x128xf32>,
    } else {
    }
    %get3A_47 = arith.constant 0 : index
    %get3A_48 = arith.constant 0 : index
    %get3A_49 = vector.load %arg10[%get3A_47, %get3A_48] : memref<64x128xf32, #tpu.memory_space<vmem>>, vector<64x128xf32>
    %add3A_50 = arith.addf %get3A_49, %dot_general3A_42 : vector<64x128xf32>
    %swap3A = arith.constant 0 : index
    %swap3A_51 = arith.constant 0 : index
    %swap3A_52 = vector.load %arg10[%swap3A, %swap3A_51] : memref<64x128xf32, #tpu.memory_space<vmem>>, vector<64x128xf32>
    tpu.vector_store %arg10[%swap3A, %swap3A_51], %add3A_50 {strides = array<i32>} : memref<64x128xf32, #tpu.memory_space<vmem>>, vector<64x128xf32>,
    return
  }
  func.func @transform_0(%arg0: i32) -> (i32, i32) {
    %c0_i32 = arith.constant 0 : i32
    %c0_i32_0 = arith.constant 0 : i32
    %c0_i32_1 = arith.constant 0 : i32
    return %c0_i32, %c0_i32_0 : i32, i32
  }
  func.func @transform_1(%arg0: i32) -> (i32, i32) {
    %c0_i32 = arith.constant 0 : i32
    %c0_i32_0 = arith.constant 0 : i32
    return %arg0, %c0_i32 : i32, i32
  }
  func.func @transform_2(%arg0: i32) -> (i32, i32) {
    %c0_i32 = arith.constant 0 : i32
    %c0_i32_0 = arith.constant 0 : i32
    return %arg0, %c0_i32 : i32, i32
  }
  func.func @transform_3(%arg0: i32) -> (i32, i32) {
    %add3A = arith.constant 10 : i32
    %add3A_0 = arith.addi %arg0, %add3A : i32
    %c0_i32 = arith.constant 0 : i32
    %c0_i32_1 = arith.constant 0 : i32
    return %add3A_0, %c0_i32 : i32, i32
  }
  func.func @transform_4(%arg0: i32) -> (i32, i32) {
    %c0_i32 = arith.constant 0 : i32
    %c0_i32_0 = arith.constant 0 : i32
    %c0_i32_1 = arith.constant 0 : i32
    return %c0_i32, %c0_i32_0 : i32, i32
  }
  func.func @transform_5(%arg0: i32) -> (i32, i32) {
    %c0_i32 = arith.constant 0 : i32
    %c0_i32_0 = arith.constant 0 : i32
    %c0_i32_1 = arith.constant 0 : i32
    return %c0_i32, %c0_i32_0 : i32, i32
  }
  func.func @transform_6(%arg0: i32) -> (i32, i32) {
    %c0_i32 = arith.constant 0 : i32
    %c0_i32_0 = arith.constant 0 : i32
    %c0_i32_1 = arith.constant 0 : i32
    return %c0_i32, %c0_i32_0 : i32, i32
  }
  func.func @transform_7(%arg0: i32) -> (i32, i32) {
    %c0_i32 = arith.constant 0 : i32
    %c0_i32_0 = arith.constant 0 : i32
    %c0_i32_1 = arith.constant 0 : i32
    return %c0_i32, %c0_i32_0 : i32, i32
  }
  func.func @transform_8(%arg0: i32) -> (i32, i32, i32) {
    %c0_i32 = arith.constant 0 : i32
    %c0_i32_0 = arith.constant 0 : i32
    %c0_i32_1 = arith.constant 0 : i32
    return %arg0, %c0_i32, %c0_i32_0 : i32, i32, i32
  }
  func.func @transform_9(%arg0: i32) -> (i32, i32) {
    %c0_i32 = arith.constant 0 : i32
    %c0_i32_0 = arith.constant 0 : i32
    %c0_i32_1 = arith.constant 0 : i32
    return %c0_i32, %c0_i32_0 : i32, i32
  }
}

</mosaic_0001>

<sc_bundles>
// kernel: kernel.11.cloned.1.call-start
scs
__scs_entry_jumppad:
0x0: {  	(pc) =	sbr.rel $0x88, $3  }
0x1: {  	(tag) =	ssettag $0x0;
	lr =	simm.s32 $0x1  }
0x2: {  	[smem:$0x3F8F] =	sst lr;
	_ =	strace $0xD0000000  }
0x3: {  	_ = 	snop  }
0x4: {  	_ = 	snop  }
0x5: {  	_ = 	snop  }
0x6: {  	_ = 	snop  }
0x7: {  	_ = 	snop  }
__scs_overlays_trampoline_lowered:
0x8: {  	[smem:$0x3F9E] =	sst s0  }
0x9: {  	[smem:$0x3F9F] =	sst s1  }
0xa: {  	[smem:$0x3FA0] =	sst s2  }
0xb: {  	[smem:$0x3FA1] =	sst s3  }
0xc: {  	[smem:$0x3FA2] =	sst s4  }
0xd: {  	[smem:$0x3FA3] =	sst s5  }
0xe: {  	[smem:$0x3FA4] =	sst s6  }
0xf: {  	[smem:$0x3FA5] =	sst s7  }
0x10: {  	[smem:$0x3FA6] =	sst s8  }
0x11: {  	[smem:$0x3FA7] =	sst s9;
	s0 =	simm.s32 @!p0 $0x0  }
0x12: {  	s1 =	sld [smem:$0x3F8D];
	s0 =	simm.s32 @p0 $0x1  }
0x13: {  	[smem:$0x3FA8] =	sst s0;
	s0 =	simm.s32 @!p1 $0x0  }
0x14: {  	s2 =	sld [smem:$0x3F8C];
	s0 =	simm.s32 @p1 $0x1  }
0x15: {  	[smem:$0x3FA9] =	sst s0;
	s0 =	simm.s32 @!p2 $0x0  }
0x16: {  	s3 =	sld [smem:$0x3FDB];
	s0 =	simm.s32 @p2 $0x1  }
0x17: {  	s4 =	simm.s32 $0x1BF5;
	[smem:$0x3FAB] =	sst s0  }
0x18: {  	s0 =	sld [smem:$0x3F8E];
	_ =	swait.ge [sflag:s4], $0x0  }
0x19: {  	s7 =	sld [smem:$0x3F8F]  }
0x1a: {  	s8 =	sadd.s32 $0xFFFFE003, lr  }
0x1b: {  	s9 =	sadd.s32 $0xFFFFFEF7, lr;
	s5 =	simm.s32 $0xFFFFFFFF;
	p2 =	slt.u32 s8, $0xFFFFF086  }
0x1c: {  	p1 =	slt.u32 s9, $0xF7A;
	s5 =	simm.s32 @!p2 $0x0  }
0x1d: {  	s5 =	simm.s32 @p1 $0x1;
	p0 =	seq.s32 s7, s2  }
0x1e: {  	s7 =	smul.u32 @!p0 $0xF7A, s2;
	p2 =	seq.s32 @!p0 s5, $0x0  }
0x1f: {  	s9 =	smul.u32 $0xF7A, s1;
	s8 =	simm.s32 @!p0 $0x1BF5;
	p2 =	por !p2, p0  }
0x20: {  	[sflag:s8] =	ssyncset.s32 @!p0 $0xFFFFF086;
	s6 =	sadd.s32 @!p0 s3, s7;
	s7 =	simm.s32 @!p0 $0x108  }
0x21: {  	s3 =	sadd.s32 s3, s9;
	s6 =	sadd.s32 @!p0 $0x88, s6;
	s7 =	simm.s32 @p2 $0x1082  }
0x22: {  	[simem:s7], [sflag:s8] =	dma.local @!p0 [hbm:s6], $0xF7A  }
0x23: {  	s9 =	sor.u32 $0xD0000000, s2;
	s6 =	simm.s32 $0x108;
	_ =	swait.ge @!p0 [sflag:s8], $0x0  }
0x24: {  	s3 =	sadd.s32 $0x88, s3;
	s6 =	simm.s32 @!p1 $0x1082;
	[sflag:s4] =	ssyncset.s32 $0xFFFFF086  }
0x25: {  	[simem:s6], [sflag:s4] =	dma.local [hbm:s3], $0xF7A  }
0x26: {  	[smem:$0x3F8F] =	sst s1;
	(tag) =	ssettag s2;
	_ =	strace s9  }
0x27: {  	s1 =	sld [smem:$0x3F9F]  }
0x28: {  	s2 =	sld [smem:$0x3FA0]  }
0x29: {  	s4 =	sld [smem:$0x3FA2]  }
0x2a: {  	p0 =	seq.s32 s5, $0x0;
	s5 =	sld [smem:$0x3FA3]  }
0x2b: {  	s6 =	sld [smem:$0x3FA4]  }
0x2c: {  	s7 =	sld [smem:$0x3FA5]  }
0x2d: {  	s3 =	simm.s32 $0x108;
	s8 =	sld [smem:$0x3FA6]  }
0x2e: {  	s3 =	simm.s32 @!p0 $0x1082;
	s9 =	sld [smem:$0x3FA7]  }
0x2f: {  	lr =	sadd.s32 s0, s3;
	s0 =	sld [smem:$0x3F9E]  }
0x30: {  	s3 =	sld [smem:$0x3FA1]  }
0x31: {  	[smem:$0x3FAA] =	sst s10  }
0x32: {  	s10 =	sld [smem:$0x3FA8];
	_ =	sdelay $0x3  }
0x33: {  	p0 =	seq.s32 s10, $0x1;
	s10 =	sld [smem:$0x3FAA];
	_ =	sdelay $0x3  }
0x34: {  	[smem:$0x3FAA] =	sst s10  }
0x35: {  	s10 =	sld [smem:$0x3FA9];
	_ =	sdelay $0x3  }
0x36: {  	p1 =	seq.s32 s10, $0x1;
	s10 =	sld [smem:$0x3FAA];
	_ =	sdelay $0x3  }
0x37: {  	[smem:$0x3FAA] =	sst s10  }
0x38: {  	s10 =	sld [smem:$0x3FAB]  }
0x39: {  	_ = 	snop;
	(pc) =	sbr.ind lr, $3  }
0x3a: {  	_ = 	snop  }
0x3b: {  	_ = 	snop  }
0x3c: {  	p2 =	seq.s32 s10, $0x1;
	s10 =	sld [smem:$0x3FAA]  }
0x3d: {  	_ =	shalt  }
0x3e: {  	_ =	shalt  }
0x3f: {  	_ =	shalt  }
0x40: {  	_ =	shalt  }
0x41: {  	_ =	shalt  }
0x42: {  	_ =	shalt  }
0x43: {  	_ =	shalt  }
0x44: {  	_ =	shalt  }
0x45: {  	_ =	shalt  }
0x46: {  	_ =	shalt  }
0x47: {  	_ =	shalt  }
0x48: {  	_ =	shalt  }
0x49: {  	_ =	shalt  }
0x4a: {  	_ =	shalt  }
0x4b: {  	_ =	shalt  }
0x4c: {  	_ =	shalt  }
0x4d: {  	_ =	shalt  }
0x4e: {  	_ =	shalt  }
0x4f: {  	_ =	shalt  }
0x50: {  	_ =	shalt  }
0x51: {  	_ =	shalt  }
0x52: {  	_ =	shalt  }
0x53: {  	_ =	shalt  }
0x54: {  	_ =	shalt  }
0x55: {  	_ =	shalt  }
0x56: {  	_ =	shalt  }
0x57: {  	_ =	shalt  }
0x58: {  	_ =	shalt  }
0x59: {  	_ =	shalt  }
0x5a: {  	_ =	shalt  }
0x5b: {  	_ =	shalt  }
0x5c: {  	_ =	shalt  }
0x5d: {  	_ =	shalt  }
0x5e: {  	_ =	shalt  }
0x5f: {  	_ =	shalt  }
0x60: {  	_ =	shalt  }
0x61: {  	_ =	shalt  }
0x62: {  	_ =	shalt  }
0x63: {  	_ =	shalt  }
0x64: {  	_ =	shalt  }
0x65: {  	_ =	shalt  }
0x66: {  	_ =	shalt  }
0x67: {  	_ =	shalt  }
0x68: {  	_ =	shalt  }
0x69: {  	_ =	shalt  }
0x6a: {  	_ =	shalt  }
0x6b: {  	_ =	shalt  }
0x6c: {  	_ =	shalt  }
0x6d: {  	_ =	shalt  }
0x6e: {  	_ =	shalt  }
0x6f: {  	_ =	shalt  }
0x70: {  	_ =	shalt  }
0x71: {  	_ =	shalt  }
0x72: {  	_ =	shalt  }
0x73: {  	_ =	shalt  }
0x74: {  	_ =	shalt  }
0x75: {  	_ =	shalt  }
0x76: {  	_ =	shalt  }
0x77: {  	_ =	shalt  }
0x78: {  	_ =	shalt  }
0x79: {  	_ =	shalt  }
0x7a: {  	_ =	shalt  }
0x7b: {  	_ =	shalt  }
0x7c: {  	_ =	shalt  }
0x7d: {  	_ =	shalt  }
0x7e: {  	_ =	shalt  }
0x7f: {  	_ =	shalt  }
0x80: {  	_ =	shalt  }
0x81: {  	_ =	shalt  }
0x82: {  	_ =	shalt  }
0x83: {  	_ =	shalt  }
0x84: {  	_ =	shalt  }
0x85: {  	_ =	shalt  }
0x86: {  	_ =	shalt  }
0x87: {  	_ =	shalt  }
.Lfunc_end0:
.L_simem_size_0:
called_computation.1_lowered:
.L_overlay_start_0:
0x88: {  	s2 =	sld [smem:$0x3FD9]  }
0x89: {  	s3 =	sld [smem:$0x3FFE];
	_ =	sdelay $0x1  }
0x8a: {  	s1 =	srdreg.scid  }
0x8b: {  	s0 =	sand.u32 $0x1, s1  }
0x8c: {  	s16 =	sshll.u32 s0, $0xA;
	s2 =	sadd.s32 s3, s2  }
0x8d: {  	s2 =	sadd.s32 s2, s16  }
0x8e: {  	[smem:$0x3FB6] =	sst s2  }
0x8f: {  	_ = 	snop  }
0x90: {  	(tm) =	ssettm $0x1  }
0x91: {  	s17 =	sld [smem:$0x3FFB];
	_ =	sdelay $0x3  }
0x92: {  	_ =	strace s17  }
0x93: {  	s2 =	sld [smem:$0x3FFC];
	_ =	sdelay $0x3  }
0x94: {  	_ =	strace s2  }
0x95: {  	s2 =	sld [smem:$0x3FFD];
	_ =	sdelay $0x3  }
0x96: {  	_ =	strace s2  }
0x97: {  	_ =	strace $0x8FFFFFFF  }
0x98: {  	s18 =	sld [smem:$0x3FDB];
	_ =	sdelay $0x1  }
0x99: {  	s19 =	simm.s32 $_scs_section_size  }
0x9a: {  	s4 =	simm.s32 $_size__tile_overlayer_lowered;
	s5 =	simm.s32 $_tile_overlayer_lowered  }
0x9b: {  	s22 =	simm.s32 $0x1BFF;
	s21 =	sshll.u32 s5, $0x1;
	s2 =	sadd.s32 s19, s18  }
0x9c: {  	s6 =	simm.s32 $0x0;
	s20 =	sshll.u32 s4, $0x1;
	s4 =	sadd.s32 s21, s2  }
0x9d: {  	[timem:s6], [sflag:s22] =	dma.local [hbm:s4], s20  }
0x9e: {  	_ =	swait.ge [sflag:s22], s20  }
0x9f: {  	s3 =	ssub.s32 $0x0, s20;
	[sflag:s22] =	ssyncset.done $0x0  }
0xa0: {  	[sflag:s22] =	ssyncadd.s32 s3;
	_ =	sdelay $0x1  }
0xa1: {  	s23 =	simm.s32 $0x1B8B  }
0xa2: {  	_ =	swait.ge [sflag:s23], $0x1  }
0xa3: {  	[sflag:s23] =	ssyncset.done $0x0  }
0xa4: {  	s25 =	simm.s32 $0x1B8E;
	s24 =	sld [smem:$0x3FFE];
	[sflag:s23] =	ssyncadd.s32 $0xFFFFFFFF  }
0xa5: {  	s26 =	simm.s32 $execute0_lowered;
	[smem:$0x3FD2] =	sst s25  }
0xa6: {  	s4 =	sshll.u32 s26, $0x1;
	_ =	strace $0x80000049;
	[dreg:$0x1] =	wrdreg $0xFFFFFFFF  }
0xa7: {  	s28 =	simm.s32 $_size_execute0_lowered;
	s2 =	sadd.s32 s2, s4;
	[dreg:$0x0] =	wrdreg $0x0  }
0xa8: {  	s4 =	sshll.u32 s28, $0x1;
	[dreg:$0x2] =	wrdreg s2  }
0xa9: {  	[dreg:$0x3] =	wrdreg s4  }
0xaa: {  	[dreg:$0x4] =	wrdreg $0xC0  }
0xab: {  	_ =	task [dreg:s6], $0x5FFFF  }
0xac: {  	[dreg:$0x1] =	wrdreg $0xFFFFFFFF  }
0xad: {  	[dreg:$0x0] =	wrdreg $0x60  }
0xae: {  	[dreg:$0x2] =	wrdreg s24  }
0xaf: {  	[dreg:$0x3] =	wrdreg $0xB7000  }
0xb0: {  	[dreg:$0x4] =	wrdreg $0x9  }
0xb1: {  	_ =	task.clear_ibuf [dreg:s6], $0x5FFFF;
	_ =	strace $0x90000049  }
0xb2: {  	s29 =	simm.s32 $0x9;
	_ =	strace $0x8000004B  }
0xb3: {  	_ =	swait.ge [sflag:s29], $0x1  }
0xb4: {  	[sflag:s29] =	ssyncadd.s32 $0xFFFFFFFF  }
0xb5: {  	_ =	strace $0x9000004B  }
0xb6: {  	_ =	sfence  }
0xb7: {  	s30 =	sld [smem:$0x0];
	_ =	sdelay $0x2  }
0xb8: {  	s31 =	sshll.u32 s1, $0xD;
	s1 =	sshrl.u32 s1, $0x2  }
0xb9: {  	s3 =	sand.u32 $0x4000, s31;
	s1 =	sadd.s32 s1, s30  }
0xba: {  	s0 =	sor.u32 s3, s0;
	s1 =	sshll.u32 s1, $0x11  }
0xbb: {  	s0 =	sor.u32 s1, s0  }
0xbc: {  	s0 =	sadd.s32 $0x8F2B, s0  }
0xbd: {  	[sflag:s0] =	ssyncadd.remote.s32 $0x1  }
0xbe: {  	_ =	sfence.sel $0xFFFF  }
0xbf: {  	[dreg:$0x0] =	wrdreg $0xFFFFFFFF;
	(pc) =	sbr.abs _section_cstart, $3  }
0xc0: {  	[dreg:$0x1] =	wrdreg $0xFFFFFFFF  }
0xc1: {  	_ =	task.clear_ibuf [dreg:s6], $0x2FFFF;
	_ =	strace $0x9FFFFFFF  }
0xc2: {  	(tm) =	ssettm $0x7FFFFFFF  }
0xc3: {  	_ =	shalt  }
tec
execute0_lowered:
.L_overlay_start_1:
0x0: {  	(tag) =	ssettag $0x1  }
0x1: {  	s0 =	rddreg [dreg:$0x0]  }
0x2: {  	s2 =	rddreg [dreg:$0x1];
	s1 =	srdreg.scid  }
0x3: {  	s11 =	stileid.u32;
	s3 =	simm.s32 $0x0;
	s28 =	simm.s32 $0x200  }
0x4: {  	s29 =	simm.s32 $0x3;
	s30 =	simm.s32 $0x7B00;
	s31 =	simm.s32 $0x5  }
0x5: {  	s1 =	sand.u32 $0x1, s1;
	s5 =	smul.u32 $0x2800, s11;
	[smem:$0x7FF] =	sst s3  }
0x6: {  	s4 =	sadd.s32 $0x18C00, s0;
	s7 =	sadd.s32 $0x3C00, s0;
	s8 =	smul.u32 $0x50000, s11  }
0x7: {  	s10 =	sshll.u32 s11, $0x8;
	s15 =	sshll.u32 s11, $0x6;
	s6 =	smul.u32 $0x28000, s1  }
0x8: {  	_ =	strace $0x8000004A;
	s13 =	ssub.s32 $0x2, s1;
	s1 =	sshll.u32 s1, $0xC  }
0x9: {  	s9 =	sshrl.u32 s13, $0x1;
	s14 =	sshrl.u32 s8, $0x2;
	s1 =	sor.u32 s10, s1  }
0xa: {  	s6 =	sadd.s32 s5, s6;
	s9 =	ssub.s32 s13, s9;
	s8 =	sadd.s32 s14, s2  }
0xb: {  	s10 =	sshrl.u32 s1, $0x3;
	s5 =	sadd.s32 s4, s5;
	s17 =	sor.u32 $0x4000, s1  }
0xc: {  	s18 =	sor.u32 $0x6000, s1;
	s19 =	sor.u32 $0x8000, s1;
	s25 =	sor.u32 $0xE000, s1  }
0xd: {  	s26 =	sor.u32 $0xC000, s1;
	s1 =	sor.u32 $0xA000, s1;
	s0 =	sadd.s32 s6, s0  }
0xe: {  	[dreg:$0x3] =	wrdreg s5;
	s6 =	sor.u32 $0x1C0A, s15;
	s16 =	sadd.s32 s7, s10  }
0xf: {  	s20 =	smax.u32 s9, $0x1;
	s21 =	sshrl.u32 s17, $0x3;
	s22 =	sshrl.u32 s18, $0x3  }
0x10: {  	s23 =	sshrl.u32 s19, $0x3;
	s1 =	sshrl.u32 s1, $0x3;
	s17 =	sshrl.u32 s8, $0x3  }
0x11: {  	s18 =	simm.s32 $0xA;
	s19 =	simm.s32 $0x100;
	s8 =	simm.s32 $0x280  }
0x12: {  	s9 =	simm.s32 $0x8;
	s10 =	simm.s32 $0x0;
	[dreg:$0x4] =	wrdreg s16  }
0x13: {  	s5 =	sadd.s32 $0x400, s16;
	s0 =	sadd.s32 $0x40C00, s0;
	[dreg:$0x7] =	wrdreg s20  }
0x14: {  	s24 =	sadd.s32 s7, s22;
	s13 =	sadd.s32 s7, s23;
	s16 =	sadd.s32 s1, s7  }
0x15: {  	s20 =	simm.s32 $0x1;
	s22 =	simm.s32 $0x300;
	[dreg:$0x5] =	wrdreg s5  }
0x16: {  	s23 =	simm.s32 $0x2;
	s1 =	simm.s32 $0x7;
	[dreg:$0x6] =	wrdreg s0  }
.Ltmp0:
0x17: {  	s0 =	sadd.s32 s7, s21;
	[dreg:$0x9] =	wrdreg s24;
	(pc) =	sbr.rel .LBB2_1-.Ltmp0, $4  }
0x18: {  	s5 =	sshrl.u32 s26, $0x3;
	s21 =	simm.s32 $0x78;
	s24 =	simm.s32 $0x3F00  }
0x19: {  	s26 =	simm.s32 $0x80;
	[dreg:$0x8] =	wrdreg s0;
	s0 =	sshrl.u32 s25, $0x3  }
0x1a: {  	s15 =	sadd.s32 s5, s7;
	s25 =	simm.s32 $0x4;
	s5 =	simm.s32 $0x6  }
0x1b: {  	s14 =	sadd.s32 s0, s7;
	s0 =	simm.s32 $0x180;
	s7 =	simm.s32 $0x9  }
.LBB2_4:
0x1c: {  	_ =	swait.ge [sflag:s5], $0x3C00  }
0x1d: {  	[sflag:s5] =	ssyncset.done $0x0  }
0x1e: {  	[sflag:s5] =	ssyncadd.s32 $0xFFFFC400  }
0x1f: {  	[spmem:s2] =	stream.indirect.scatter.add.f32 [tilespmem:s30], [sflag:$0x9], $0x80, s8, s21, $0xb8;
	[tilespmem:$0x1F700] =	vst v63  }
0x20: {  	_ =	swait.ge [sflag:s9], $0x3C00  }
0x21: {  	[sflag:s9] =	ssyncset.done $0x0  }
0x22: {  	[sflag:s9] =	ssyncadd.s32 $0xFFFFC400  }
0x23: {  	_ =	swait.ge [sflag:s7], $0x3C00  }
0x24: {  	[sflag:s7] =	ssyncset.done $0x0  }
0x25: {  	[sflag:s7] =	ssyncadd.s32 $0xFFFFC400  }
0x26: {  	[bflag:$0x0] =	sbarrier.arrive $0xFFFF  }
0x27: {  	s11 =	rddreg [dreg:$0x6]  }
0x28: {  	[hbm:s11], [sflag:s6] =	dma.local [spmem:s17], $0x2800  }
0x29: {  	_ =	swait.ge [sflag:s18], $0x2800  }
0x2a: {  	s10 =	sadd.s32 $0x1, s10;
	s12 =	rddreg [dreg:$0x7]  }
0x2b: {  	p0 =	sne.s32 s10, s12  }
.Ltmp1:
0x2c: {  	_ = 	snop;
	(pc) =	sbr.rel @!p0 .LBB2_5-.Ltmp1, $3  }
0x2d: {  	_ =	sdelay $0x1  }
0x2e: {  	[sflag:s18] =	ssyncset.done $0x0  }
0x2f: {  	[sflag:s18] =	ssyncadd.s32 $0xFFFFD800  }
.LBB2_1:
0x30: {  	s11 =	rddreg [dreg:$0x3]  }
0x31: {  	[spmem:s17], [sflag:s6] =	dma.local [hbm:s11], $0x2800  }
0x32: {  	_ =	swait.ge [sflag:s18], $0x2800  }
0x33: {  	[sflag:s18] =	ssyncset.done $0x0  }
0x34: {  	[sflag:s18] =	ssyncadd.s32 $0xFFFFD800  }
0x35: {  	[bflag:$0x0] =	sbarrier.arrive $0xFFFF  }
0x36: {  	s12 =	rddreg [dreg:$0x4]  }
0x37: {  	[tilespmem:s3], [sflag:$0x1] =	stream.linear.gather [hbm4b:s12+s3], $0x100, $0x38;
	[tilespmem:$0x1F700] =	vst v63  }
0x38: {  	s12 =	rddreg [dreg:$0x5]  }
0x39: {  	[tilespmem:s19], [sflag:$0x2] =	stream.linear.gather [hbm4b:s12+s3], $0x100, $0x38;
	[tilespmem:$0x1F700] =	vst v63  }
0x3a: {  	_ =	swait.ge [sflag:s20], $0x100  }
0x3b: {  	[sflag:s20] =	ssyncset.done $0x0  }
0x3c: {  	[sflag:s20] =	ssyncadd.s32 $0xFFFFFF00  }
0x3d: {  	[tilespmem:s22], [sflag:$0x4] =	stream.indirect.gather [hbm4b:s4+s21], $0x80, s3, s21, $0xb8;
	[tilespmem:$0x1F700] =	vst v63  }
0x3e: {  	_ =	swait.ge [sflag:s23], $0x100  }
0x3f: {  	[sflag:s23] =	ssyncset.done $0x0  }
0x40: {  	[sflag:s23] =	ssyncadd.s32 $0xFFFFFF00  }
0x41: {  	[tilespmem:s24], [sflag:$0x5] =	stream.indirect.gather [hbm4b:s4+s21], $0x80, s19, s21, $0xb8;
	[tilespmem:$0x1F700] =	vst v63  }
0x42: {  	_ =	swait.ge [sflag:s25], $0x3C00  }
0x43: {  	[sflag:s25] =	ssyncset.done $0x0  }
0x44: {  	[sflag:s25] =	ssyncadd.s32 $0xFFFFC400  }
0x45: {  	[spmem:s2] =	stream.indirect.scatter.add.f32 [tilespmem:s22], [sflag:$0x7], $0x80, s26, s21, $0xb8;
	[tilespmem:$0x1F700] =	vst v63  }
0x46: {  	s12 =	rddreg [dreg:$0x8]  }
0x47: {  	[tilespmem:s28], [sflag:$0x3] =	stream.linear.gather [hbm4b:s12+s3], $0x100, $0x38;
	[tilespmem:$0x1F700] =	vst v63  }
0x48: {  	_ =	swait.ge [sflag:s29], $0x100  }
0x49: {  	[sflag:s29] =	ssyncset.done $0x0  }
0x4a: {  	[sflag:s29] =	ssyncadd.s32 $0xFFFFFF00  }
0x4b: {  	[tilespmem:s30], [sflag:$0x6] =	stream.indirect.gather [hbm4b:s4+s21], $0x80, s28, s21, $0xb8;
	[tilespmem:$0x1F700] =	vst v63  }
0x4c: {  	_ =	swait.ge [sflag:s31], $0x3C00  }
0x4d: {  	[sflag:s31] =	ssyncset.done $0x0  }
0x4e: {  	[sflag:s31] =	ssyncadd.s32 $0xFFFFC400  }
0x4f: {  	[spmem:s2] =	stream.indirect.scatter.add.f32 [tilespmem:s24], [sflag:$0x8], $0x80, s0, s21, $0xb8;
	[tilespmem:$0x1F700] =	vst v63  }
0x50: {  	_ =	swait.ge [sflag:s1], $0x3C00  }
0x51: {  	[sflag:s1] =	ssyncset.done $0x0  }
0x52: {  	s12 =	rddreg [dreg:$0x9];
	[sflag:s1] =	ssyncadd.s32 $0xFFFFC400  }
0x53: {  	[tilespmem:s3], [sflag:$0x1] =	stream.linear.gather [hbm4b:s12+s3], $0x100, $0x38;
	[tilespmem:$0x1F700] =	vst v63  }
0x54: {  	_ =	swait.ge [sflag:s20], $0x100  }
0x55: {  	[sflag:s20] =	ssyncset.done $0x0  }
0x56: {  	[sflag:s20] =	ssyncadd.s32 $0xFFFFFF00  }
0x57: {  	[tilespmem:s22], [sflag:$0x4] =	stream.indirect.gather [hbm4b:s4+s21], $0x80, s3, s21, $0xb8;
	[tilespmem:$0x1F700] =	vst v63  }
0x58: {  	_ =	swait.ge [sflag:s5], $0x3C00  }
0x59: {  	[sflag:s5] =	ssyncset.done $0x0  }
0x5a: {  	[sflag:s5] =	ssyncadd.s32 $0xFFFFC400  }
0x5b: {  	[spmem:s2] =	stream.indirect.scatter.add.f32 [tilespmem:s30], [sflag:$0x9], $0x80, s8, s21, $0xb8;
	[tilespmem:$0x1F700] =	vst v63  }
0x5c: {  	_ =	swait.ge [sflag:s9], $0x3C00  }
0x5d: {  	[sflag:s9] =	ssyncset.done $0x0  }
0x5e: {  	[sflag:s9] =	ssyncadd.s32 $0xFFFFC400  }
0x5f: {  	[tilespmem:s19], [sflag:$0x2] =	stream.linear.gather [hbm4b:s13+s3], $0x100, $0x38;
	[tilespmem:$0x1F700] =	vst v63  }
0x60: {  	_ =	swait.ge [sflag:s23], $0x100  }
0x61: {  	[sflag:s23] =	ssyncset.done $0x0  }
0x62: {  	s11 =	simm.s32 $0x0;
	[sflag:s23] =	ssyncadd.s32 $0xFFFFFF00  }
0x63: {  	[tilespmem:s24], [sflag:$0x5] =	stream.indirect.gather [hbm4b:s4+s21], $0x80, s19, s21, $0xb8;
	[tilespmem:$0x1F700] =	vst v63  }
.LBB2_2:
0x64: {  	_ =	swait.ge [sflag:s25], $0x3C00  }
0x65: {  	[sflag:s25] =	ssyncset.done $0x0  }
0x66: {  	[sflag:s25] =	ssyncadd.s32 $0xFFFFC400  }
0x67: {  	[spmem:s2] =	stream.indirect.scatter.add.f32 [tilespmem:s22], [sflag:$0x7], $0x80, s26, s21, $0xb8;
	[tilespmem:$0x1F700] =	vst v63  }
0x68: {  	_ =	swait.ge [sflag:s7], $0x3C00  }
0x69: {  	[sflag:s7] =	ssyncset.done $0x0  }
0x6a: {  	s12 =	sadd.s32 s11, s16;
	[sflag:s7] =	ssyncadd.s32 $0xFFFFC400  }
0x6b: {  	[tilespmem:s28], [sflag:$0x3] =	stream.linear.gather [hbm4b:s12+s3], $0x100, $0x38;
	[tilespmem:$0x1F700] =	vst v63  }
0x6c: {  	_ =	swait.ge [sflag:s29], $0x100  }
0x6d: {  	[sflag:s29] =	ssyncset.done $0x0  }
0x6e: {  	[sflag:s29] =	ssyncadd.s32 $0xFFFFFF00  }
0x6f: {  	[tilespmem:s30], [sflag:$0x6] =	stream.indirect.gather [hbm4b:s4+s21], $0x80, s28, s21, $0xb8;
	[tilespmem:$0x1F700] =	vst v63  }
0x70: {  	_ =	swait.ge [sflag:s31], $0x3C00  }
0x71: {  	p0 =	seq.s32 s11, $0x13800;
	[sflag:s31] =	ssyncset.done $0x0  }
.Ltmp2:
0x72: {  	[sflag:s31] =	ssyncadd.s32 $0xFFFFC400;
	(pc) =	sbr.rel @p0 .LBB2_4-.Ltmp2, $4  }
0x73: {  	[spmem:s2] =	stream.indirect.scatter.add.f32 [tilespmem:s24], [sflag:$0x8], $0x80, s0, s21, $0xb8;
	[tilespmem:$0x1F700] =	vst v63  }
0x74: {  	_ =	swait.ge [sflag:s1], $0x3C00  }
0x75: {  	[sflag:s1] =	ssyncset.done $0x0  }
0x76: {  	[sflag:s1] =	ssyncadd.s32 $0xFFFFC400  }
0x77: {  	s12 =	sadd.s32 s11, s15  }
0x78: {  	[tilespmem:s3], [sflag:$0x1] =	stream.linear.gather [hbm4b:s12+s3], $0x100, $0x38;
	[tilespmem:$0x1F700] =	vst v63  }
0x79: {  	_ =	swait.ge [sflag:s20], $0x100  }
0x7a: {  	[sflag:s20] =	ssyncset.done $0x0  }
0x7b: {  	[sflag:s20] =	ssyncadd.s32 $0xFFFFFF00  }
0x7c: {  	[tilespmem:s22], [sflag:$0x4] =	stream.indirect.gather [hbm4b:s4+s21], $0x80, s3, s21, $0xb8;
	[tilespmem:$0x1F700] =	vst v63  }
0x7d: {  	_ =	swait.ge [sflag:s5], $0x3C00  }
0x7e: {  	[sflag:s5] =	ssyncset.done $0x0  }
0x7f: {  	[sflag:s5] =	ssyncadd.s32 $0xFFFFC400  }
0x80: {  	[spmem:s2] =	stream.indirect.scatter.add.f32 [tilespmem:s30], [sflag:$0x9], $0x80, s8, s21, $0xb8;
	[tilespmem:$0x1F700] =	vst v63  }
0x81: {  	_ =	swait.ge [sflag:s9], $0x3C00  }
0x82: {  	[sflag:s9] =	ssyncset.done $0x0  }
0x83: {  	s12 =	sadd.s32 s11, s14;
	[sflag:s9] =	ssyncadd.s32 $0xFFFFC400  }
0x84: {  	[tilespmem:s19], [sflag:$0x2] =	stream.linear.gather [hbm4b:s12+s3], $0x100, $0x38;
	[tilespmem:$0x1F700] =	vst v63  }
.Ltmp3:
0x85: {  	_ = 	snop;
	(pc) =	sbr.rel .LBB2_2-.Ltmp3, $4  }
0x86: {  	_ =	swait.ge [sflag:s23], $0x100  }
0x87: {  	[sflag:s23] =	ssyncset.done $0x0  }
0x88: {  	s11 =	sadd.s32 $0xC00, s11;
	[sflag:s23] =	ssyncadd.s32 $0xFFFFFF00  }
0x89: {  	[tilespmem:s24], [sflag:$0x5] =	stream.indirect.gather [hbm4b:s4+s21], $0x80, s19, s21, $0xb8;
	[tilespmem:$0x1F700] =	vst v63  }
.LBB2_5:
0x8a: {  	_ =	sfence.sel $0x180000  }
0x8b: {  	[bflag:$0x0] =	sbarrier.arrive $0xFFFF  }
0x8c: {  	_ =	strace $0x9000004A  }
0x8d: {  	s0 =	stileid.u32;
	[bflag:$0x2] =	sbarrier.arrive $0xFFFF  }
0x8e: {  	p0 =	sne.s32 s0, $0x0;
	s0 =	rddreg [dreg:$0x2]  }
0x8f: {  	s0 =	sadd.s32 @!p0 $0x100000, s0  }
0x90: {  	[sflag:s0] =	ssyncadd.tile.s32 @!p0 $0x1;
	_ =	shalt  }
.Lfunc_end2:
_tile_overlayer_lowered:
.L_overlay_start_2:
0x91: {  	(tag) =	ssettag $0x2  }
0x92: {  	s0 =	rddreg [dreg:$0x0];
	s2 =	stileid.u32  }
0x93: {  	s1 =	rddreg [dreg:$0x1];
	p0 =	sne.s32 s2, $0x0  }
0x94: {  	s3 =	rddreg [dreg:$0x2];
	[bflag:$0x3] =	sbarrier.arrive $0xFFFF;
	s2 =	simm.s32 @!p0 $0x1C0A  }
0x95: {  	[timem:s3], [sflag:s2] =	dma.local @!p0 [hbm:s0], s1  }
0x96: {  	s0 =	simm.s32 @!p0 $0xA  }
0x97: {  	_ =	swait.ge @!p0 [sflag:s0], s1  }
0x98: {  	s1 =	ssub.s32 @!p0 $0x0, s1;
	[sflag:s0] =	ssyncset.done @!p0 $0x0  }
0x99: {  	[sflag:s0] =	ssyncadd.s32 @!p0 s1  }
0x9a: {  	[bflag:$0x3] =	sbarrier.arrive $0xFFFF  }
0x9b: {  	_ =	shalt  }

// kernel: kernel.14.cloned.1.call-start
scs
__scs_entry_jumppad:
0x0: {  	(pc) =	sbr.rel $0x88, $3  }
0x1: {  	(tag) =	ssettag $0x0;
	lr =	simm.s32 $0x1  }
0x2: {  	[smem:$0x3F8F] =	sst lr;
	_ =	strace $0xD0000000  }
0x3: {  	_ = 	snop  }
0x4: {  	_ = 	snop  }
0x5: {  	_ = 	snop  }
0x6: {  	_ = 	snop  }
0x7: {  	_ = 	snop  }
__scs_overlays_trampoline_lowered:
0x8: {  	[smem:$0x3F9E] =	sst s0  }
0x9: {  	[smem:$0x3F9F] =	sst s1  }
0xa: {  	[smem:$0x3FA0] =	sst s2  }
0xb: {  	[smem:$0x3FA1] =	sst s3  }
0xc: {  	[smem:$0x3FA2] =	sst s4  }
0xd: {  	[smem:$0x3FA3] =	sst s5  }
0xe: {  	[smem:$0x3FA4] =	sst s6  }
0xf: {  	[smem:$0x3FA5] =	sst s7  }
0x10: {  	[smem:$0x3FA6] =	sst s8  }
0x11: {  	[smem:$0x3FA7] =	sst s9;
	s0 =	simm.s32 @!p0 $0x0  }
0x12: {  	s1 =	sld [smem:$0x3F8D];
	s0 =	simm.s32 @p0 $0x1  }
0x13: {  	[smem:$0x3FA8] =	sst s0;
	s0 =	simm.s32 @!p1 $0x0  }
0x14: {  	s2 =	sld [smem:$0x3F8C];
	s0 =	simm.s32 @p1 $0x1  }
0x15: {  	[smem:$0x3FA9] =	sst s0;
	s0 =	simm.s32 @!p2 $0x0  }
0x16: {  	s3 =	sld [smem:$0x3FDB];
	s0 =	simm.s32 @p2 $0x1  }
0x17: {  	s4 =	simm.s32 $0x1BF5;
	[smem:$0x3FAB] =	sst s0  }
0x18: {  	s0 =	sld [smem:$0x3F8E];
	_ =	swait.ge [sflag:s4], $0x0  }
0x19: {  	s7 =	sld [smem:$0x3F8F]  }
0x1a: {  	s8 =	sadd.s32 $0xFFFFE003, lr  }
0x1b: {  	s9 =	sadd.s32 $0xFFFFFEF7, lr;
	s5 =	simm.s32 $0xFFFFFFFF;
	p2 =	slt.u32 s8, $0xFFFFF086  }
0x1c: {  	p1 =	slt.u32 s9, $0xF7A;
	s5 =	simm.s32 @!p2 $0x0  }
0x1d: {  	s5 =	simm.s32 @p1 $0x1;
	p0 =	seq.s32 s7, s2  }
0x1e: {  	s7 =	smul.u32 @!p0 $0xF7A, s2;
	p2 =	seq.s32 @!p0 s5, $0x0  }
0x1f: {  	s9 =	smul.u32 $0xF7A, s1;
	s8 =	simm.s32 @!p0 $0x1BF5;
	p2 =	por !p2, p0  }
0x20: {  	[sflag:s8] =	ssyncset.s32 @!p0 $0xFFFFF086;
	s6 =	sadd.s32 @!p0 s3, s7;
	s7 =	simm.s32 @!p0 $0x108  }
0x21: {  	s3 =	sadd.s32 s3, s9;
	s6 =	sadd.s32 @!p0 $0x88, s6;
	s7 =	simm.s32 @p2 $0x1082  }
0x22: {  	[simem:s7], [sflag:s8] =	dma.local @!p0 [hbm:s6], $0xF7A  }
0x23: {  	s9 =	sor.u32 $0xD0000000, s2;
	s6 =	simm.s32 $0x108;
	_ =	swait.ge @!p0 [sflag:s8], $0x0  }
0x24: {  	s3 =	sadd.s32 $0x88, s3;
	s6 =	simm.s32 @!p1 $0x1082;
	[sflag:s4] =	ssyncset.s32 $0xFFFFF086  }
0x25: {  	[simem:s6], [sflag:s4] =	dma.local [hbm:s3], $0xF7A  }
0x26: {  	[smem:$0x3F8F] =	sst s1;
	(tag) =	ssettag s2;
	_ =	strace s9  }
0x27: {  	s1 =	sld [smem:$0x3F9F]  }
0x28: {  	s2 =	sld [smem:$0x3FA0]  }
0x29: {  	s4 =	sld [smem:$0x3FA2]  }
0x2a: {  	p0 =	seq.s32 s5, $0x0;
	s5 =	sld [smem:$0x3FA3]  }
0x2b: {  	s6 =	sld [smem:$0x3FA4]  }
0x2c: {  	s7 =	sld [smem:$0x3FA5]  }
0x2d: {  	s3 =	simm.s32 $0x108;
	s8 =	sld [smem:$0x3FA6]  }
0x2e: {  	s3 =	simm.s32 @!p0 $0x1082;
	s9 =	sld [smem:$0x3FA7]  }
0x2f: {  	lr =	sadd.s32 s0, s3;
	s0 =	sld [smem:$0x3F9E]  }
0x30: {  	s3 =	sld [smem:$0x3FA1]  }
0x31: {  	[smem:$0x3FAA] =	sst s10  }
0x32: {  	s10 =	sld [smem:$0x3FA8];
	_ =	sdelay $0x3  }
0x33: {  	p0 =	seq.s32 s10, $0x1;
	s10 =	sld [smem:$0x3FAA];
	_ =	sdelay $0x3  }
0x34: {  	[smem:$0x3FAA] =	sst s10  }
0x35: {  	s10 =	sld [smem:$0x3FA9];
	_ =	sdelay $0x3  }
0x36: {  	p1 =	seq.s32 s10, $0x1;
	s10 =	sld [smem:$0x3FAA];
	_ =	sdelay $0x3  }
0x37: {  	[smem:$0x3FAA] =	sst s10  }
0x38: {  	s10 =	sld [smem:$0x3FAB]  }
0x39: {  	_ = 	snop;
	(pc) =	sbr.ind lr, $3  }
0x3a: {  	_ = 	snop  }
0x3b: {  	_ = 	snop  }
0x3c: {  	p2 =	seq.s32 s10, $0x1;
	s10 =	sld [smem:$0x3FAA]  }
0x3d: {  	_ =	shalt  }
0x3e: {  	_ =	shalt  }
0x3f: {  	_ =	shalt  }
0x40: {  	_ =	shalt  }
0x41: {  	_ =	shalt  }
0x42: {  	_ =	shalt  }
0x43: {  	_ =	shalt  }
0x44: {  	_ =	shalt  }
0x45: {  	_ =	shalt  }
0x46: {  	_ =	shalt  }
0x47: {  	_ =	shalt  }
0x48: {  	_ =	shalt  }
0x49: {  	_ =	shalt  }
0x4a: {  	_ =	shalt  }
0x4b: {  	_ =	shalt  }
0x4c: {  	_ =	shalt  }
0x4d: {  	_ =	shalt  }
0x4e: {  	_ =	shalt  }
0x4f: {  	_ =	shalt  }
0x50: {  	_ =	shalt  }
0x51: {  	_ =	shalt  }
0x52: {  	_ =	shalt  }
0x53: {  	_ =	shalt  }
0x54: {  	_ =	shalt  }
0x55: {  	_ =	shalt  }
0x56: {  	_ =	shalt  }
0x57: {  	_ =	shalt  }
0x58: {  	_ =	shalt  }
0x59: {  	_ =	shalt  }
0x5a: {  	_ =	shalt  }
0x5b: {  	_ =	shalt  }
0x5c: {  	_ =	shalt  }
0x5d: {  	_ =	shalt  }
0x5e: {  	_ =	shalt  }
0x5f: {  	_ =	shalt  }
0x60: {  	_ =	shalt  }
0x61: {  	_ =	shalt  }
0x62: {  	_ =	shalt  }
0x63: {  	_ =	shalt  }
0x64: {  	_ =	shalt  }
0x65: {  	_ =	shalt  }
0x66: {  	_ =	shalt  }
0x67: {  	_ =	shalt  }
0x68: {  	_ =	shalt  }
0x69: {  	_ =	shalt  }
0x6a: {  	_ =	shalt  }
0x6b: {  	_ =	shalt  }
0x6c: {  	_ =	shalt  }
0x6d: {  	_ =	shalt  }
0x6e: {  	_ =	shalt  }
0x6f: {  	_ =	shalt  }
0x70: {  	_ =	shalt  }
0x71: {  	_ =	shalt  }
0x72: {  	_ =	shalt  }
0x73: {  	_ =	shalt  }
0x74: {  	_ =	shalt  }
0x75: {  	_ =	shalt  }
0x76: {  	_ =	shalt  }
0x77: {  	_ =	shalt  }
0x78: {  	_ =	shalt  }
0x79: {  	_ =	shalt  }
0x7a: {  	_ =	shalt  }
0x7b: {  	_ =	shalt  }
0x7c: {  	_ =	shalt  }
0x7d: {  	_ =	shalt  }
0x7e: {  	_ =	shalt  }
0x7f: {  	_ =	shalt  }
0x80: {  	_ =	shalt  }
0x81: {  	_ =	shalt  }
0x82: {  	_ =	shalt  }
0x83: {  	_ =	shalt  }
0x84: {  	_ =	shalt  }
0x85: {  	_ =	shalt  }
0x86: {  	_ =	shalt  }
0x87: {  	_ =	shalt  }
.Lfunc_end0:
.L_simem_size_0:
called_computation.2_lowered:
.L_overlay_start_0:
0x88: {  	s2 =	sld [smem:$0x3FD9]  }
0x89: {  	s3 =	sld [smem:$0x3FFE];
	_ =	sdelay $0x1  }
0x8a: {  	s1 =	srdreg.scid  }
0x8b: {  	s0 =	sand.u32 $0x1, s1  }
0x8c: {  	s16 =	sshll.u32 s0, $0xA;
	s2 =	sadd.s32 s3, s2  }
0x8d: {  	s2 =	sadd.s32 s2, s16  }
0x8e: {  	[smem:$0x3FB6] =	sst s2  }
0x8f: {  	_ = 	snop  }
0x90: {  	(tm) =	ssettm $0x1  }
0x91: {  	s17 =	sld [smem:$0x3FFB];
	_ =	sdelay $0x3  }
0x92: {  	_ =	strace s17  }
0x93: {  	s2 =	sld [smem:$0x3FFC];
	_ =	sdelay $0x3  }
0x94: {  	_ =	strace s2  }
0x95: {  	s2 =	sld [smem:$0x3FFD];
	_ =	sdelay $0x3  }
0x96: {  	_ =	strace s2  }
0x97: {  	_ =	strace $0x8FFFFFFF  }
0x98: {  	s18 =	sld [smem:$0x3FDB];
	_ =	sdelay $0x1  }
0x99: {  	s19 =	simm.s32 $_scs_section_size  }
0x9a: {  	s4 =	simm.s32 $_size__tile_overlayer_lowered;
	s5 =	simm.s32 $_tile_overlayer_lowered  }
0x9b: {  	s22 =	simm.s32 $0x1BFF;
	s21 =	sshll.u32 s5, $0x1;
	s2 =	sadd.s32 s19, s18  }
0x9c: {  	s6 =	simm.s32 $0x0;
	s20 =	sshll.u32 s4, $0x1;
	s4 =	sadd.s32 s21, s2  }
0x9d: {  	[timem:s6], [sflag:s22] =	dma.local [hbm:s4], s20  }
0x9e: {  	_ =	swait.ge [sflag:s22], s20  }
0x9f: {  	s3 =	ssub.s32 $0x0, s20;
	[sflag:s22] =	ssyncset.done $0x0  }
0xa0: {  	[sflag:s22] =	ssyncadd.s32 s3;
	_ =	sdelay $0x1  }
0xa1: {  	s23 =	simm.s32 $0x1B8B  }
0xa2: {  	_ =	swait.ge [sflag:s23], $0x1  }
0xa3: {  	[sflag:s23] =	ssyncset.done $0x0  }
0xa4: {  	s25 =	simm.s32 $0x1B8E;
	s24 =	sld [smem:$0x3FFE];
	[sflag:s23] =	ssyncadd.s32 $0xFFFFFFFF  }
0xa5: {  	s26 =	simm.s32 $execute0_lowered;
	[smem:$0x3FD2] =	sst s25  }
0xa6: {  	s4 =	sshll.u32 s26, $0x1;
	_ =	strace $0x8000004C;
	[dreg:$0x1] =	wrdreg $0xFFFFFFFF  }
0xa7: {  	s28 =	simm.s32 $_size_execute0_lowered;
	s2 =	sadd.s32 s2, s4;
	[dreg:$0x0] =	wrdreg $0x0  }
0xa8: {  	s4 =	sshll.u32 s28, $0x1;
	[dreg:$0x2] =	wrdreg s2  }
0xa9: {  	[dreg:$0x3] =	wrdreg s4  }
0xaa: {  	[dreg:$0x4] =	wrdreg $0xC0  }
0xab: {  	_ =	task [dreg:s6], $0x5FFFF  }
0xac: {  	[dreg:$0x1] =	wrdreg $0xFFFFFFFF  }
0xad: {  	[dreg:$0x0] =	wrdreg $0x60  }
0xae: {  	[dreg:$0x2] =	wrdreg s24  }
0xaf: {  	[dreg:$0x3] =	wrdreg $0xB7000  }
0xb0: {  	[dreg:$0x4] =	wrdreg $0x9  }
0xb1: {  	_ =	task.clear_ibuf [dreg:s6], $0x5FFFF;
	_ =	strace $0x9000004C  }
0xb2: {  	s29 =	simm.s32 $0x9;
	_ =	strace $0x8000004E  }
0xb3: {  	_ =	swait.ge [sflag:s29], $0x1  }
0xb4: {  	[sflag:s29] =	ssyncadd.s32 $0xFFFFFFFF  }
0xb5: {  	_ =	strace $0x9000004E  }
0xb6: {  	_ =	sfence  }
0xb7: {  	s30 =	sld [smem:$0x0];
	_ =	sdelay $0x2  }
0xb8: {  	s31 =	sshll.u32 s1, $0xD;
	s1 =	sshrl.u32 s1, $0x2  }
0xb9: {  	s3 =	sand.u32 $0x4000, s31;
	s1 =	sadd.s32 s1, s30  }
0xba: {  	s0 =	sor.u32 s3, s0;
	s1 =	sshll.u32 s1, $0x11  }
0xbb: {  	s0 =	sor.u32 s1, s0  }
0xbc: {  	s0 =	sadd.s32 $0x8F2B, s0  }
0xbd: {  	[sflag:s0] =	ssyncadd.remote.s32 $0x1  }
0xbe: {  	_ =	sfence.sel $0xFFFF  }
0xbf: {  	[dreg:$0x0] =	wrdreg $0xFFFFFFFF;
	(pc) =	sbr.abs _section_cstart, $3  }
0xc0: {  	[dreg:$0x1] =	wrdreg $0xFFFFFFFF  }
0xc1: {  	_ =	task.clear_ibuf [dreg:s6], $0x2FFFF;
	_ =	strace $0x9FFFFFFF  }
0xc2: {  	(tm) =	ssettm $0x7FFFFFFF  }
0xc3: {  	_ =	shalt  }
tec
execute0_lowered:
.L_overlay_start_1:
0x0: {  	(tag) =	ssettag $0x1  }
0x1: {  	s0 =	rddreg [dreg:$0x0]  }
0x2: {  	s2 =	rddreg [dreg:$0x1];
	s1 =	srdreg.scid  }
0x3: {  	s11 =	stileid.u32;
	s3 =	simm.s32 $0x0;
	s28 =	simm.s32 $0x200  }
0x4: {  	s29 =	simm.s32 $0x3;
	s30 =	simm.s32 $0x7B00;
	s31 =	simm.s32 $0x5  }
0x5: {  	s1 =	sand.u32 $0x1, s1;
	s5 =	smul.u32 $0x2800, s11;
	[smem:$0x7FF] =	sst s3  }
0x6: {  	s4 =	sadd.s32 $0x18C00, s0;
	s7 =	sadd.s32 $0x3C00, s0;
	s8 =	smul.u32 $0x50000, s11  }
0x7: {  	s10 =	sshll.u32 s11, $0x8;
	s15 =	sshll.u32 s11, $0x6;
	s6 =	smul.u32 $0x28000, s1  }
0x8: {  	_ =	strace $0x8000004D;
	s13 =	ssub.s32 $0x2, s1;
	s1 =	sshll.u32 s1, $0xC  }
0x9: {  	s9 =	sshrl.u32 s13, $0x1;
	s14 =	sshrl.u32 s8, $0x2;
	s1 =	sor.u32 s10, s1  }
0xa: {  	s6 =	sadd.s32 s5, s6;
	s9 =	ssub.s32 s13, s9;
	s8 =	sadd.s32 s14, s2  }
0xb: {  	s10 =	sshrl.u32 s1, $0x3;
	s5 =	sadd.s32 s4, s5;
	s17 =	sor.u32 $0x4000, s1  }
0xc: {  	s18 =	sor.u32 $0x6000, s1;
	s19 =	sor.u32 $0x8000, s1;
	s25 =	sor.u32 $0xE000, s1  }
0xd: {  	s26 =	sor.u32 $0xC000, s1;
	s1 =	sor.u32 $0xA000, s1;
	s0 =	sadd.s32 s6, s0  }
0xe: {  	[dreg:$0x3] =	wrdreg s5;
	s6 =	sor.u32 $0x1C0A, s15;
	s16 =	sadd.s32 s7, s10  }
0xf: {  	s20 =	smax.u32 s9, $0x1;
	s21 =	sshrl.u32 s17, $0x3;
	s22 =	sshrl.u32 s18, $0x3  }
0x10: {  	s23 =	sshrl.u32 s19, $0x3;
	s1 =	sshrl.u32 s1, $0x3;
	s17 =	sshrl.u32 s8, $0x3  }
0x11: {  	s18 =	simm.s32 $0xA;
	s19 =	simm.s32 $0x100;
	s8 =	simm.s32 $0x280  }
0x12: {  	s9 =	simm.s32 $0x8;
	s10 =	simm.s32 $0x0;
	[dreg:$0x4] =	wrdreg s16  }
0x13: {  	s5 =	sadd.s32 $0x400, s16;
	s0 =	sadd.s32 $0x40C00, s0;
	[dreg:$0x7] =	wrdreg s20  }
0x14: {  	s24 =	sadd.s32 s7, s22;
	s13 =	sadd.s32 s7, s23;
	s16 =	sadd.s32 s1, s7  }
0x15: {  	s20 =	simm.s32 $0x1;
	s22 =	simm.s32 $0x300;
	[dreg:$0x5] =	wrdreg s5  }
0x16: {  	s23 =	simm.s32 $0x2;
	s1 =	simm.s32 $0x7;
	[dreg:$0x6] =	wrdreg s0  }
.Ltmp0:
0x17: {  	s0 =	sadd.s32 s7, s21;
	[dreg:$0x9] =	wrdreg s24;
	(pc) =	sbr.rel .LBB2_1-.Ltmp0, $4  }
0x18: {  	s5 =	sshrl.u32 s26, $0x3;
	s21 =	simm.s32 $0x78;
	s24 =	simm.s32 $0x3F00  }
0x19: {  	s26 =	simm.s32 $0x80;
	[dreg:$0x8] =	wrdreg s0;
	s0 =	sshrl.u32 s25, $0x3  }
0x1a: {  	s15 =	sadd.s32 s5, s7;
	s25 =	simm.s32 $0x4;
	s5 =	simm.s32 $0x6  }
0x1b: {  	s14 =	sadd.s32 s0, s7;
	s0 =	simm.s32 $0x180;
	s7 =	simm.s32 $0x9  }
.LBB2_4:
0x1c: {  	_ =	swait.ge [sflag:s5], $0x3C00  }
0x1d: {  	[sflag:s5] =	ssyncset.done $0x0  }
0x1e: {  	[sflag:s5] =	ssyncadd.s32 $0xFFFFC400  }
0x1f: {  	[spmem:s2] =	stream.indirect.scatter.add.f32 [tilespmem:s30], [sflag:$0x9], $0x80, s8, s21, $0xb8;
	[tilespmem:$0x1F700] =	vst v63  }
0x20: {  	_ =	swait.ge [sflag:s9], $0x3C00  }
0x21: {  	[sflag:s9] =	ssyncset.done $0x0  }
0x22: {  	[sflag:s9] =	ssyncadd.s32 $0xFFFFC400  }
0x23: {  	_ =	swait.ge [sflag:s7], $0x3C00  }
0x24: {  	[sflag:s7] =	ssyncset.done $0x0  }
0x25: {  	[sflag:s7] =	ssyncadd.s32 $0xFFFFC400  }
0x26: {  	[bflag:$0x0] =	sbarrier.arrive $0xFFFF  }
0x27: {  	s11 =	rddreg [dreg:$0x6]  }
0x28: {  	[hbm:s11], [sflag:s6] =	dma.local [spmem:s17], $0x2800  }
0x29: {  	_ =	swait.ge [sflag:s18], $0x2800  }
0x2a: {  	s10 =	sadd.s32 $0x1, s10;
	s12 =	rddreg [dreg:$0x7]  }
0x2b: {  	p0 =	sne.s32 s10, s12  }
.Ltmp1:
0x2c: {  	_ = 	snop;
	(pc) =	sbr.rel @!p0 .LBB2_5-.Ltmp1, $3  }
0x2d: {  	_ =	sdelay $0x1  }
0x2e: {  	[sflag:s18] =	ssyncset.done $0x0  }
0x2f: {  	[sflag:s18] =	ssyncadd.s32 $0xFFFFD800  }
.LBB2_1:
0x30: {  	s11 =	rddreg [dreg:$0x3]  }
0x31: {  	[spmem:s17], [sflag:s6] =	dma.local [hbm:s11], $0x2800  }
0x32: {  	_ =	swait.ge [sflag:s18], $0x2800  }
0x33: {  	[sflag:s18] =	ssyncset.done $0x0  }
0x34: {  	[sflag:s18] =	ssyncadd.s32 $0xFFFFD800  }
0x35: {  	[bflag:$0x0] =	sbarrier.arrive $0xFFFF  }
0x36: {  	s12 =	rddreg [dreg:$0x4]  }
0x37: {  	[tilespmem:s3], [sflag:$0x1] =	stream.linear.gather [hbm4b:s12+s3], $0x100, $0x38;
	[tilespmem:$0x1F700] =	vst v63  }
0x38: {  	s12 =	rddreg [dreg:$0x5]  }
0x39: {  	[tilespmem:s19], [sflag:$0x2] =	stream.linear.gather [hbm4b:s12+s3], $0x100, $0x38;
	[tilespmem:$0x1F700] =	vst v63  }
0x3a: {  	_ =	swait.ge [sflag:s20], $0x100  }
0x3b: {  	[sflag:s20] =	ssyncset.done $0x0  }
0x3c: {  	[sflag:s20] =	ssyncadd.s32 $0xFFFFFF00  }
0x3d: {  	[tilespmem:s22], [sflag:$0x4] =	stream.indirect.gather [hbm4b:s4+s21], $0x80, s3, s21, $0xb8;
	[tilespmem:$0x1F700] =	vst v63  }
0x3e: {  	_ =	swait.ge [sflag:s23], $0x100  }
0x3f: {  	[sflag:s23] =	ssyncset.done $0x0  }
0x40: {  	[sflag:s23] =	ssyncadd.s32 $0xFFFFFF00  }
0x41: {  	[tilespmem:s24], [sflag:$0x5] =	stream.indirect.gather [hbm4b:s4+s21], $0x80, s19, s21, $0xb8;
	[tilespmem:$0x1F700] =	vst v63  }
0x42: {  	_ =	swait.ge [sflag:s25], $0x3C00  }
0x43: {  	[sflag:s25] =	ssyncset.done $0x0  }
0x44: {  	[sflag:s25] =	ssyncadd.s32 $0xFFFFC400  }
0x45: {  	[spmem:s2] =	stream.indirect.scatter.add.f32 [tilespmem:s22], [sflag:$0x7], $0x80, s26, s21, $0xb8;
	[tilespmem:$0x1F700] =	vst v63  }
0x46: {  	s12 =	rddreg [dreg:$0x8]  }
0x47: {  	[tilespmem:s28], [sflag:$0x3] =	stream.linear.gather [hbm4b:s12+s3], $0x100, $0x38;
	[tilespmem:$0x1F700] =	vst v63  }
0x48: {  	_ =	swait.ge [sflag:s29], $0x100  }
0x49: {  	[sflag:s29] =	ssyncset.done $0x0  }
0x4a: {  	[sflag:s29] =	ssyncadd.s32 $0xFFFFFF00  }
0x4b: {  	[tilespmem:s30], [sflag:$0x6] =	stream.indirect.gather [hbm4b:s4+s21], $0x80, s28, s21, $0xb8;
	[tilespmem:$0x1F700] =	vst v63  }
0x4c: {  	_ =	swait.ge [sflag:s31], $0x3C00  }
0x4d: {  	[sflag:s31] =	ssyncset.done $0x0  }
0x4e: {  	[sflag:s31] =	ssyncadd.s32 $0xFFFFC400  }
0x4f: {  	[spmem:s2] =	stream.indirect.scatter.add.f32 [tilespmem:s24], [sflag:$0x8], $0x80, s0, s21, $0xb8;
	[tilespmem:$0x1F700] =	vst v63  }
0x50: {  	_ =	swait.ge [sflag:s1], $0x3C00  }
0x51: {  	[sflag:s1] =	ssyncset.done $0x0  }
0x52: {  	s12 =	rddreg [dreg:$0x9];
	[sflag:s1] =	ssyncadd.s32 $0xFFFFC400  }
0x53: {  	[tilespmem:s3], [sflag:$0x1] =	stream.linear.gather [hbm4b:s12+s3], $0x100, $0x38;
	[tilespmem:$0x1F700] =	vst v63  }
0x54: {  	_ =	swait.ge [sflag:s20], $0x100  }
0x55: {  	[sflag:s20] =	ssyncset.done $0x0  }
0x56: {  	[sflag:s20] =	ssyncadd.s32 $0xFFFFFF00  }
0x57: {  	[tilespmem:s22], [sflag:$0x4] =	stream.indirect.gather [hbm4b:s4+s21], $0x80, s3, s21, $0xb8;
	[tilespmem:$0x1F700] =	vst v63  }
0x58: {  	_ =	swait.ge [sflag:s5], $0x3C00  }
0x59: {  	[sflag:s5] =	ssyncset.done $0x0  }
0x5a: {  	[sflag:s5] =	ssyncadd.s32 $0xFFFFC400  }
0x5b: {  	[spmem:s2] =	stream.indirect.scatter.add.f32 [tilespmem:s30], [sflag:$0x9], $0x80, s8, s21, $0xb8;
	[tilespmem:$0x1F700] =	vst v63  }
0x5c: {  	_ =	swait.ge [sflag:s9], $0x3C00  }
0x5d: {  	[sflag:s9] =	ssyncset.done $0x0  }
0x5e: {  	[sflag:s9] =	ssyncadd.s32 $0xFFFFC400  }
0x5f: {  	[tilespmem:s19], [sflag:$0x2] =	stream.linear.gather [hbm4b:s13+s3], $0x100, $0x38;
	[tilespmem:$0x1F700] =	vst v63  }
0x60: {  	_ =	swait.ge [sflag:s23], $0x100  }
0x61: {  	[sflag:s23] =	ssyncset.done $0x0  }
0x62: {  	s11 =	simm.s32 $0x0;
	[sflag:s23] =	ssyncadd.s32 $0xFFFFFF00  }
0x63: {  	[tilespmem:s24], [sflag:$0x5] =	stream.indirect.gather [hbm4b:s4+s21], $0x80, s19, s21, $0xb8;
	[tilespmem:$0x1F700] =	vst v63  }
.LBB2_2:
0x64: {  	_ =	swait.ge [sflag:s25], $0x3C00  }
0x65: {  	[sflag:s25] =	ssyncset.done $0x0  }
0x66: {  	[sflag:s25] =	ssyncadd.s32 $0xFFFFC400  }
0x67: {  	[spmem:s2] =	stream.indirect.scatter.add.f32 [tilespmem:s22], [sflag:$0x7], $0x80, s26, s21, $0xb8;
	[tilespmem:$0x1F700] =	vst v63  }
0x68: {  	_ =	swait.ge [sflag:s7], $0x3C00  }
0x69: {  	[sflag:s7] =	ssyncset.done $0x0  }
0x6a: {  	s12 =	sadd.s32 s11, s16;
	[sflag:s7] =	ssyncadd.s32 $0xFFFFC400  }
0x6b: {  	[tilespmem:s28], [sflag:$0x3] =	stream.linear.gather [hbm4b:s12+s3], $0x100, $0x38;
	[tilespmem:$0x1F700] =	vst v63  }
0x6c: {  	_ =	swait.ge [sflag:s29], $0x100  }
0x6d: {  	[sflag:s29] =	ssyncset.done $0x0  }
0x6e: {  	[sflag:s29] =	ssyncadd.s32 $0xFFFFFF00  }
0x6f: {  	[tilespmem:s30], [sflag:$0x6] =	stream.indirect.gather [hbm4b:s4+s21], $0x80, s28, s21, $0xb8;
	[tilespmem:$0x1F700] =	vst v63  }
0x70: {  	_ =	swait.ge [sflag:s31], $0x3C00  }
0x71: {  	p0 =	seq.s32 s11, $0x13800;
	[sflag:s31] =	ssyncset.done $0x0  }
.Ltmp2:
0x72: {  	[sflag:s31] =	ssyncadd.s32 $0xFFFFC400;
	(pc) =	sbr.rel @p0 .LBB2_4-.Ltmp2, $4  }
0x73: {  	[spmem:s2] =	stream.indirect.scatter.add.f32 [tilespmem:s24], [sflag:$0x8], $0x80, s0, s21, $0xb8;
	[tilespmem:$0x1F700] =	vst v63  }
0x74: {  	_ =	swait.ge [sflag:s1], $0x3C00  }
0x75: {  	[sflag:s1] =	ssyncset.done $0x0  }
0x76: {  	[sflag:s1] =	ssyncadd.s32 $0xFFFFC400  }
0x77: {  	s12 =	sadd.s32 s11, s15  }
0x78: {  	[tilespmem:s3], [sflag:$0x1] =	stream.linear.gather [hbm4b:s12+s3], $0x100, $0x38;
	[tilespmem:$0x1F700] =	vst v63  }
0x79: {  	_ =	swait.ge [sflag:s20], $0x100  }
0x7a: {  	[sflag:s20] =	ssyncset.done $0x0  }
0x7b: {  	[sflag:s20] =	ssyncadd.s32 $0xFFFFFF00  }
0x7c: {  	[tilespmem:s22], [sflag:$0x4] =	stream.indirect.gather [hbm4b:s4+s21], $0x80, s3, s21, $0xb8;
	[tilespmem:$0x1F700] =	vst v63  }
0x7d: {  	_ =	swait.ge [sflag:s5], $0x3C00  }
0x7e: {  	[sflag:s5] =	ssyncset.done $0x0  }
0x7f: {  	[sflag:s5] =	ssyncadd.s32 $0xFFFFC400  }
0x80: {  	[spmem:s2] =	stream.indirect.scatter.add.f32 [tilespmem:s30], [sflag:$0x9], $0x80, s8, s21, $0xb8;
	[tilespmem:$0x1F700] =	vst v63  }
0x81: {  	_ =	swait.ge [sflag:s9], $0x3C00  }
0x82: {  	[sflag:s9] =	ssyncset.done $0x0  }
0x83: {  	s12 =	sadd.s32 s11, s14;
	[sflag:s9] =	ssyncadd.s32 $0xFFFFC400  }
0x84: {  	[tilespmem:s19], [sflag:$0x2] =	stream.linear.gather [hbm4b:s12+s3], $0x100, $0x38;
	[tilespmem:$0x1F700] =	vst v63  }
.Ltmp3:
0x85: {  	_ = 	snop;
	(pc) =	sbr.rel .LBB2_2-.Ltmp3, $4  }
0x86: {  	_ =	swait.ge [sflag:s23], $0x100  }
0x87: {  	[sflag:s23] =	ssyncset.done $0x0  }
0x88: {  	s11 =	sadd.s32 $0xC00, s11;
	[sflag:s23] =	ssyncadd.s32 $0xFFFFFF00  }
0x89: {  	[tilespmem:s24], [sflag:$0x5] =	stream.indirect.gather [hbm4b:s4+s21], $0x80, s19, s21, $0xb8;
	[tilespmem:$0x1F700] =	vst v63  }
.LBB2_5:
0x8a: {  	_ =	sfence.sel $0x180000  }
0x8b: {  	[bflag:$0x0] =	sbarrier.arrive $0xFFFF  }
0x8c: {  	_ =	strace $0x9000004D  }
0x8d: {  	s0 =	stileid.u32;
	[bflag:$0x2] =	sbarrier.arrive $0xFFFF  }
0x8e: {  	p0 =	sne.s32 s0, $0x0;
	s0 =	rddreg [dreg:$0x2]  }
0x8f: {  	s0 =	sadd.s32 @!p0 $0x100000, s0  }
0x90: {  	[sflag:s0] =	ssyncadd.tile.s32 @!p0 $0x1;
	_ =	shalt  }
.Lfunc_end2:
_tile_overlayer_lowered:
.L_overlay_start_2:
0x91: {  	(tag) =	ssettag $0x2  }
0x92: {  	s0 =	rddreg [dreg:$0x0];
	s2 =	stileid.u32  }
0x93: {  	s1 =	rddreg [dreg:$0x1];
	p0 =	sne.s32 s2, $0x0  }
0x94: {  	s3 =	rddreg [dreg:$0x2];
	[bflag:$0x3] =	sbarrier.arrive $0xFFFF;
	s2 =	simm.s32 @!p0 $0x1C0A  }
0x95: {  	[timem:s3], [sflag:s2] =	dma.local @!p0 [hbm:s0], s1  }
0x96: {  	s0 =	simm.s32 @!p0 $0xA  }
0x97: {  	_ =	swait.ge @!p0 [sflag:s0], s1  }
0x98: {  	s1 =	ssub.s32 @!p0 $0x0, s1;
	[sflag:s0] =	ssyncset.done @!p0 $0x0  }
0x99: {  	[sflag:s0] =	ssyncadd.s32 @!p0 s1  }
0x9a: {  	[bflag:$0x3] =	sbarrier.arrive $0xFFFF  }
0x9b: {  	_ =	shalt  }

// kernel: kernel.8.cloned.1.call-start
scs
__scs_entry_jumppad:
0x0: {  	(pc) =	sbr.rel $0x88, $3  }
0x1: {  	(tag) =	ssettag $0x0;
	lr =	simm.s32 $0x1  }
0x2: {  	[smem:$0x3F8F] =	sst lr;
	_ =	strace $0xD0000000  }
0x3: {  	_ = 	snop  }
0x4: {  	_ = 	snop  }
0x5: {  	_ = 	snop  }
0x6: {  	_ = 	snop  }
0x7: {  	_ = 	snop  }
__scs_overlays_trampoline_lowered:
0x8: {  	[smem:$0x3F9E] =	sst s0  }
0x9: {  	[smem:$0x3F9F] =	sst s1  }
0xa: {  	[smem:$0x3FA0] =	sst s2  }
0xb: {  	[smem:$0x3FA1] =	sst s3  }
0xc: {  	[smem:$0x3FA2] =	sst s4  }
0xd: {  	[smem:$0x3FA3] =	sst s5  }
0xe: {  	[smem:$0x3FA4] =	sst s6  }
0xf: {  	[smem:$0x3FA5] =	sst s7  }
0x10: {  	[smem:$0x3FA6] =	sst s8  }
0x11: {  	[smem:$0x3FA7] =	sst s9;
	s0 =	simm.s32 @!p0 $0x0  }
0x12: {  	s1 =	sld [smem:$0x3F8D];
	s0 =	simm.s32 @p0 $0x1  }
0x13: {  	[smem:$0x3FA8] =	sst s0;
	s0 =	simm.s32 @!p1 $0x0  }
0x14: {  	s2 =	sld [smem:$0x3F8C];
	s0 =	simm.s32 @p1 $0x1  }
0x15: {  	[smem:$0x3FA9] =	sst s0;
	s0 =	simm.s32 @!p2 $0x0  }
0x16: {  	s3 =	sld [smem:$0x3FDB];
	s0 =	simm.s32 @p2 $0x1  }
0x17: {  	s4 =	simm.s32 $0x1BF5;
	[smem:$0x3FAB] =	sst s0  }
0x18: {  	s0 =	sld [smem:$0x3F8E];
	_ =	swait.ge [sflag:s4], $0x0  }
0x19: {  	s7 =	sld [smem:$0x3F8F]  }
0x1a: {  	s8 =	sadd.s32 $0xFFFFE003, lr  }
0x1b: {  	s9 =	sadd.s32 $0xFFFFFEF7, lr;
	s5 =	simm.s32 $0xFFFFFFFF;
	p2 =	slt.u32 s8, $0xFFFFF086  }
0x1c: {  	p1 =	slt.u32 s9, $0xF7A;
	s5 =	simm.s32 @!p2 $0x0  }
0x1d: {  	s5 =	simm.s32 @p1 $0x1;
	p0 =	seq.s32 s7, s2  }
0x1e: {  	s7 =	smul.u32 @!p0 $0xF7A, s2;
	p2 =	seq.s32 @!p0 s5, $0x0  }
0x1f: {  	s9 =	smul.u32 $0xF7A, s1;
	s8 =	simm.s32 @!p0 $0x1BF5;
	p2 =	por !p2, p0  }
0x20: {  	[sflag:s8] =	ssyncset.s32 @!p0 $0xFFFFF086;
	s6 =	sadd.s32 @!p0 s3, s7;
	s7 =	simm.s32 @!p0 $0x108  }
0x21: {  	s3 =	sadd.s32 s3, s9;
	s6 =	sadd.s32 @!p0 $0x88, s6;
	s7 =	simm.s32 @p2 $0x1082  }
0x22: {  	[simem:s7], [sflag:s8] =	dma.local @!p0 [hbm:s6], $0xF7A  }
0x23: {  	s9 =	sor.u32 $0xD0000000, s2;
	s6 =	simm.s32 $0x108;
	_ =	swait.ge @!p0 [sflag:s8], $0x0  }
0x24: {  	s3 =	sadd.s32 $0x88, s3;
	s6 =	simm.s32 @!p1 $0x1082;
	[sflag:s4] =	ssyncset.s32 $0xFFFFF086  }
0x25: {  	[simem:s6], [sflag:s4] =	dma.local [hbm:s3], $0xF7A  }
0x26: {  	[smem:$0x3F8F] =	sst s1;
	(tag) =	ssettag s2;
	_ =	strace s9  }
0x27: {  	s1 =	sld [smem:$0x3F9F]  }
0x28: {  	s2 =	sld [smem:$0x3FA0]  }
0x29: {  	s4 =	sld [smem:$0x3FA2]  }
0x2a: {  	p0 =	seq.s32 s5, $0x0;
	s5 =	sld [smem:$0x3FA3]  }
0x2b: {  	s6 =	sld [smem:$0x3FA4]  }
0x2c: {  	s7 =	sld [smem:$0x3FA5]  }
0x2d: {  	s3 =	simm.s32 $0x108;
	s8 =	sld [smem:$0x3FA6]  }
0x2e: {  	s3 =	simm.s32 @!p0 $0x1082;
	s9 =	sld [smem:$0x3FA7]  }
0x2f: {  	lr =	sadd.s32 s0, s3;
	s0 =	sld [smem:$0x3F9E]  }
0x30: {  	s3 =	sld [smem:$0x3FA1]  }
0x31: {  	[smem:$0x3FAA] =	sst s10  }
0x32: {  	s10 =	sld [smem:$0x3FA8];
	_ =	sdelay $0x3  }
0x33: {  	p0 =	seq.s32 s10, $0x1;
	s10 =	sld [smem:$0x3FAA];
	_ =	sdelay $0x3  }
0x34: {  	[smem:$0x3FAA] =	sst s10  }
0x35: {  	s10 =	sld [smem:$0x3FA9];
	_ =	sdelay $0x3  }
0x36: {  	p1 =	seq.s32 s10, $0x1;
	s10 =	sld [smem:$0x3FAA];
	_ =	sdelay $0x3  }
0x37: {  	[smem:$0x3FAA] =	sst s10  }
0x38: {  	s10 =	sld [smem:$0x3FAB]  }
0x39: {  	_ = 	snop;
	(pc) =	sbr.ind lr, $3  }
0x3a: {  	_ = 	snop  }
0x3b: {  	_ = 	snop  }
0x3c: {  	p2 =	seq.s32 s10, $0x1;
	s10 =	sld [smem:$0x3FAA]  }
0x3d: {  	_ =	shalt  }
0x3e: {  	_ =	shalt  }
0x3f: {  	_ =	shalt  }
0x40: {  	_ =	shalt  }
0x41: {  	_ =	shalt  }
0x42: {  	_ =	shalt  }
0x43: {  	_ =	shalt  }
0x44: {  	_ =	shalt  }
0x45: {  	_ =	shalt  }
0x46: {  	_ =	shalt  }
0x47: {  	_ =	shalt  }
0x48: {  	_ =	shalt  }
0x49: {  	_ =	shalt  }
0x4a: {  	_ =	shalt  }
0x4b: {  	_ =	shalt  }
0x4c: {  	_ =	shalt  }
0x4d: {  	_ =	shalt  }
0x4e: {  	_ =	shalt  }
0x4f: {  	_ =	shalt  }
0x50: {  	_ =	shalt  }
0x51: {  	_ =	shalt  }
0x52: {  	_ =	shalt  }
0x53: {  	_ =	shalt  }
0x54: {  	_ =	shalt  }
0x55: {  	_ =	shalt  }
0x56: {  	_ =	shalt  }
0x57: {  	_ =	shalt  }
0x58: {  	_ =	shalt  }
0x59: {  	_ =	shalt  }
0x5a: {  	_ =	shalt  }
0x5b: {  	_ =	shalt  }
0x5c: {  	_ =	shalt  }
0x5d: {  	_ =	shalt  }
0x5e: {  	_ =	shalt  }
0x5f: {  	_ =	shalt  }
0x60: {  	_ =	shalt  }
0x61: {  	_ =	shalt  }
0x62: {  	_ =	shalt  }
0x63: {  	_ =	shalt  }
0x64: {  	_ =	shalt  }
0x65: {  	_ =	shalt  }
0x66: {  	_ =	shalt  }
0x67: {  	_ =	shalt  }
0x68: {  	_ =	shalt  }
0x69: {  	_ =	shalt  }
0x6a: {  	_ =	shalt  }
0x6b: {  	_ =	shalt  }
0x6c: {  	_ =	shalt  }
0x6d: {  	_ =	shalt  }
0x6e: {  	_ =	shalt  }
0x6f: {  	_ =	shalt  }
0x70: {  	_ =	shalt  }
0x71: {  	_ =	shalt  }
0x72: {  	_ =	shalt  }
0x73: {  	_ =	shalt  }
0x74: {  	_ =	shalt  }
0x75: {  	_ =	shalt  }
0x76: {  	_ =	shalt  }
0x77: {  	_ =	shalt  }
0x78: {  	_ =	shalt  }
0x79: {  	_ =	shalt  }
0x7a: {  	_ =	shalt  }
0x7b: {  	_ =	shalt  }
0x7c: {  	_ =	shalt  }
0x7d: {  	_ =	shalt  }
0x7e: {  	_ =	shalt  }
0x7f: {  	_ =	shalt  }
0x80: {  	_ =	shalt  }
0x81: {  	_ =	shalt  }
0x82: {  	_ =	shalt  }
0x83: {  	_ =	shalt  }
0x84: {  	_ =	shalt  }
0x85: {  	_ =	shalt  }
0x86: {  	_ =	shalt  }
0x87: {  	_ =	shalt  }
.Lfunc_end0:
.L_simem_size_0:
called_computation_lowered:
.L_overlay_start_0:
0x88: {  	s2 =	sld [smem:$0x3FD9]  }
0x89: {  	s3 =	sld [smem:$0x3FFE];
	_ =	sdelay $0x1  }
0x8a: {  	s1 =	srdreg.scid  }
0x8b: {  	s0 =	sand.u32 $0x1, s1  }
0x8c: {  	s16 =	sshll.u32 s0, $0xA;
	s2 =	sadd.s32 s3, s2  }
0x8d: {  	s2 =	sadd.s32 s2, s16  }
0x8e: {  	[smem:$0x3FB6] =	sst s2  }
0x8f: {  	_ = 	snop  }
0x90: {  	(tm) =	ssettm $0x1  }
0x91: {  	s17 =	sld [smem:$0x3FFB];
	_ =	sdelay $0x3  }
0x92: {  	_ =	strace s17  }
0x93: {  	s2 =	sld [smem:$0x3FFC];
	_ =	sdelay $0x3  }
0x94: {  	_ =	strace s2  }
0x95: {  	s2 =	sld [smem:$0x3FFD];
	_ =	sdelay $0x3  }
0x96: {  	_ =	strace s2  }
0x97: {  	_ =	strace $0x8FFFFFFF  }
0x98: {  	s18 =	sld [smem:$0x3FDB];
	_ =	sdelay $0x1  }
0x99: {  	s19 =	simm.s32 $_scs_section_size  }
0x9a: {  	s4 =	simm.s32 $_size__tile_overlayer_lowered;
	s5 =	simm.s32 $_tile_overlayer_lowered  }
0x9b: {  	s22 =	simm.s32 $0x1BFF;
	s21 =	sshll.u32 s5, $0x1;
	s2 =	sadd.s32 s19, s18  }
0x9c: {  	s6 =	simm.s32 $0x0;
	s20 =	sshll.u32 s4, $0x1;
	s4 =	sadd.s32 s21, s2  }
0x9d: {  	[timem:s6], [sflag:s22] =	dma.local [hbm:s4], s20  }
0x9e: {  	_ =	swait.ge [sflag:s22], s20  }
0x9f: {  	s3 =	ssub.s32 $0x0, s20;
	[sflag:s22] =	ssyncset.done $0x0  }
0xa0: {  	[sflag:s22] =	ssyncadd.s32 s3;
	_ =	sdelay $0x1  }
0xa1: {  	s23 =	simm.s32 $0x1B8B  }
0xa2: {  	_ =	swait.ge [sflag:s23], $0x1  }
0xa3: {  	[sflag:s23] =	ssyncset.done $0x0  }
0xa4: {  	s25 =	simm.s32 $0x1B8E;
	s24 =	sld [smem:$0x3FFE];
	[sflag:s23] =	ssyncadd.s32 $0xFFFFFFFF  }
0xa5: {  	s26 =	simm.s32 $execute0_lowered;
	[smem:$0x3FD2] =	sst s25  }
0xa6: {  	s4 =	sshll.u32 s26, $0x1;
	_ =	strace $0x80000046;
	[dreg:$0x1] =	wrdreg $0xFFFFFFFF  }
0xa7: {  	s28 =	simm.s32 $_size_execute0_lowered;
	s2 =	sadd.s32 s2, s4;
	[dreg:$0x0] =	wrdreg $0x0  }
0xa8: {  	s4 =	sshll.u32 s28, $0x1;
	[dreg:$0x2] =	wrdreg s2  }
0xa9: {  	[dreg:$0x3] =	wrdreg s4  }
0xaa: {  	[dreg:$0x4] =	wrdreg $0xC0  }
0xab: {  	_ =	task [dreg:s6], $0x5FFFF  }
0xac: {  	[dreg:$0x1] =	wrdreg $0xFFFFFFFF  }
0xad: {  	[dreg:$0x0] =	wrdreg $0x60  }
0xae: {  	[dreg:$0x2] =	wrdreg s24  }
0xaf: {  	[dreg:$0x3] =	wrdreg $0xB7000  }
0xb0: {  	[dreg:$0x4] =	wrdreg $0x9  }
0xb1: {  	_ =	task.clear_ibuf [dreg:s6], $0x5FFFF;
	_ =	strace $0x90000046  }
0xb2: {  	s29 =	simm.s32 $0x9;
	_ =	strace $0x80000048  }
0xb3: {  	_ =	swait.ge [sflag:s29], $0x1  }
0xb4: {  	[sflag:s29] =	ssyncadd.s32 $0xFFFFFFFF  }
0xb5: {  	_ =	strace $0x90000048  }
0xb6: {  	_ =	sfence  }
0xb7: {  	s30 =	sld [smem:$0x0];
	_ =	sdelay $0x2  }
0xb8: {  	s31 =	sshll.u32 s1, $0xD;
	s1 =	sshrl.u32 s1, $0x2  }
0xb9: {  	s3 =	sand.u32 $0x4000, s31;
	s1 =	sadd.s32 s1, s30  }
0xba: {  	s0 =	sor.u32 s3, s0;
	s1 =	sshll.u32 s1, $0x11  }
0xbb: {  	s0 =	sor.u32 s1, s0  }
0xbc: {  	s0 =	sadd.s32 $0x8F2B, s0  }
0xbd: {  	[sflag:s0] =	ssyncadd.remote.s32 $0x1  }
0xbe: {  	_ =	sfence.sel $0xFFFF  }
0xbf: {  	[dreg:$0x0] =	wrdreg $0xFFFFFFFF;
	(pc) =	sbr.abs _section_cstart, $3  }
0xc0: {  	[dreg:$0x1] =	wrdreg $0xFFFFFFFF  }
0xc1: {  	_ =	task.clear_ibuf [dreg:s6], $0x2FFFF;
	_ =	strace $0x9FFFFFFF  }
0xc2: {  	(tm) =	ssettm $0x7FFFFFFF  }
0xc3: {  	_ =	shalt  }
tec
execute0_lowered:
.L_overlay_start_1:
0x0: {  	(tag) =	ssettag $0x1  }
0x1: {  	s0 =	rddreg [dreg:$0x0]  }
0x2: {  	s2 =	rddreg [dreg:$0x1];
	s1 =	srdreg.scid  }
0x3: {  	s11 =	stileid.u32;
	s3 =	simm.s32 $0x0;
	s28 =	simm.s32 $0x200  }
0x4: {  	s29 =	simm.s32 $0x3;
	s30 =	simm.s32 $0x7B00;
	s31 =	simm.s32 $0x5  }
0x5: {  	s1 =	sand.u32 $0x1, s1;
	s5 =	smul.u32 $0x2800, s11;
	[smem:$0x7FF] =	sst s3  }
0x6: {  	s4 =	sadd.s32 $0x18C00, s0;
	s7 =	sadd.s32 $0x3C00, s0;
	s8 =	smul.u32 $0x50000, s11  }
0x7: {  	s10 =	sshll.u32 s11, $0x8;
	s15 =	sshll.u32 s11, $0x6;
	s6 =	smul.u32 $0x28000, s1  }
0x8: {  	_ =	strace $0x80000047;
	s13 =	ssub.s32 $0x2, s1;
	s1 =	sshll.u32 s1, $0xC  }
0x9: {  	s9 =	sshrl.u32 s13, $0x1;
	s14 =	sshrl.u32 s8, $0x2;
	s1 =	sor.u32 s10, s1  }
0xa: {  	s6 =	sadd.s32 s5, s6;
	s9 =	ssub.s32 s13, s9;
	s8 =	sadd.s32 s14, s2  }
0xb: {  	s10 =	sshrl.u32 s1, $0x3;
	s5 =	sadd.s32 s4, s5;
	s17 =	sor.u32 $0x4000, s1  }
0xc: {  	s18 =	sor.u32 $0x6000, s1;
	s19 =	sor.u32 $0x8000, s1;
	s25 =	sor.u32 $0xE000, s1  }
0xd: {  	s26 =	sor.u32 $0xC000, s1;
	s1 =	sor.u32 $0xA000, s1;
	s0 =	sadd.s32 s6, s0  }
0xe: {  	[dreg:$0x3] =	wrdreg s5;
	s6 =	sor.u32 $0x1C0A, s15;
	s16 =	sadd.s32 s7, s10  }
0xf: {  	s20 =	smax.u32 s9, $0x1;
	s21 =	sshrl.u32 s17, $0x3;
	s22 =	sshrl.u32 s18, $0x3  }
0x10: {  	s23 =	sshrl.u32 s19, $0x3;
	s1 =	sshrl.u32 s1, $0x3;
	s17 =	sshrl.u32 s8, $0x3  }
0x11: {  	s18 =	simm.s32 $0xA;
	s19 =	simm.s32 $0x100;
	s8 =	simm.s32 $0x280  }
0x12: {  	s9 =	simm.s32 $0x8;
	s10 =	simm.s32 $0x0;
	[dreg:$0x4] =	wrdreg s16  }
0x13: {  	s5 =	sadd.s32 $0x400, s16;
	s0 =	sadd.s32 $0x40C00, s0;
	[dreg:$0x7] =	wrdreg s20  }
0x14: {  	s24 =	sadd.s32 s7, s22;
	s13 =	sadd.s32 s7, s23;
	s16 =	sadd.s32 s1, s7  }
0x15: {  	s20 =	simm.s32 $0x1;
	s22 =	simm.s32 $0x300;
	[dreg:$0x5] =	wrdreg s5  }
0x16: {  	s23 =	simm.s32 $0x2;
	s1 =	simm.s32 $0x7;
	[dreg:$0x6] =	wrdreg s0  }
.Ltmp0:
0x17: {  	s0 =	sadd.s32 s7, s21;
	[dreg:$0x9] =	wrdreg s24;
	(pc) =	sbr.rel .LBB2_1-.Ltmp0, $4  }
0x18: {  	s5 =	sshrl.u32 s26, $0x3;
	s21 =	simm.s32 $0x78;
	s24 =	simm.s32 $0x3F00  }
0x19: {  	s26 =	simm.s32 $0x80;
	[dreg:$0x8] =	wrdreg s0;
	s0 =	sshrl.u32 s25, $0x3  }
0x1a: {  	s15 =	sadd.s32 s5, s7;
	s25 =	simm.s32 $0x4;
	s5 =	simm.s32 $0x6  }
0x1b: {  	s14 =	sadd.s32 s0, s7;
	s0 =	simm.s32 $0x180;
	s7 =	simm.s32 $0x9  }
.LBB2_4:
0x1c: {  	_ =	swait.ge [sflag:s5], $0x3C00  }
0x1d: {  	[sflag:s5] =	ssyncset.done $0x0  }
0x1e: {  	[sflag:s5] =	ssyncadd.s32 $0xFFFFC400  }
0x1f: {  	[spmem:s2] =	stream.indirect.scatter.add.f32 [tilespmem:s30], [sflag:$0x9], $0x80, s8, s21, $0xb8;
	[tilespmem:$0x1F700] =	vst v63  }
0x20: {  	_ =	swait.ge [sflag:s9], $0x3C00  }
0x21: {  	[sflag:s9] =	ssyncset.done $0x0  }
0x22: {  	[sflag:s9] =	ssyncadd.s32 $0xFFFFC400  }
0x23: {  	_ =	swait.ge [sflag:s7], $0x3C00  }
0x24: {  	[sflag:s7] =	ssyncset.done $0x0  }
0x25: {  	[sflag:s7] =	ssyncadd.s32 $0xFFFFC400  }
0x26: {  	[bflag:$0x0] =	sbarrier.arrive $0xFFFF  }
0x27: {  	s11 =	rddreg [dreg:$0x6]  }
0x28: {  	[hbm:s11], [sflag:s6] =	dma.local [spmem:s17], $0x2800  }
0x29: {  	_ =	swait.ge [sflag:s18], $0x2800  }
0x2a: {  	s10 =	sadd.s32 $0x1, s10;
	s12 =	rddreg [dreg:$0x7]  }
0x2b: {  	p0 =	sne.s32 s10, s12  }
.Ltmp1:
0x2c: {  	_ = 	snop;
	(pc) =	sbr.rel @!p0 .LBB2_5-.Ltmp1, $3  }
0x2d: {  	_ =	sdelay $0x1  }
0x2e: {  	[sflag:s18] =	ssyncset.done $0x0  }
0x2f: {  	[sflag:s18] =	ssyncadd.s32 $0xFFFFD800  }
.LBB2_1:
0x30: {  	s11 =	rddreg [dreg:$0x3]  }
0x31: {  	[spmem:s17], [sflag:s6] =	dma.local [hbm:s11], $0x2800  }
0x32: {  	_ =	swait.ge [sflag:s18], $0x2800  }
0x33: {  	[sflag:s18] =	ssyncset.done $0x0  }
0x34: {  	[sflag:s18] =	ssyncadd.s32 $0xFFFFD800  }
0x35: {  	[bflag:$0x0] =	sbarrier.arrive $0xFFFF  }
0x36: {  	s12 =	rddreg [dreg:$0x4]  }
0x37: {  	[tilespmem:s3], [sflag:$0x1] =	stream.linear.gather [hbm4b:s12+s3], $0x100, $0x38;
	[tilespmem:$0x1F700] =	vst v63  }
0x38: {  	s12 =	rddreg [dreg:$0x5]  }
0x39: {  	[tilespmem:s19], [sflag:$0x2] =	stream.linear.gather [hbm4b:s12+s3], $0x100, $0x38;
	[tilespmem:$0x1F700] =	vst v63  }
0x3a: {  	_ =	swait.ge [sflag:s20], $0x100  }
0x3b: {  	[sflag:s20] =	ssyncset.done $0x0  }
0x3c: {  	[sflag:s20] =	ssyncadd.s32 $0xFFFFFF00  }
0x3d: {  	[tilespmem:s22], [sflag:$0x4] =	stream.indirect.gather [hbm4b:s4+s21], $0x80, s3, s21, $0xb8;
	[tilespmem:$0x1F700] =	vst v63  }
0x3e: {  	_ =	swait.ge [sflag:s23], $0x100  }
0x3f: {  	[sflag:s23] =	ssyncset.done $0x0  }
0x40: {  	[sflag:s23] =	ssyncadd.s32 $0xFFFFFF00  }
0x41: {  	[tilespmem:s24], [sflag:$0x5] =	stream.indirect.gather [hbm4b:s4+s21], $0x80, s19, s21, $0xb8;
	[tilespmem:$0x1F700] =	vst v63  }
0x42: {  	_ =	swait.ge [sflag:s25], $0x3C00  }
0x43: {  	[sflag:s25] =	ssyncset.done $0x0  }
0x44: {  	[sflag:s25] =	ssyncadd.s32 $0xFFFFC400  }
0x45: {  	[spmem:s2] =	stream.indirect.scatter.add.f32 [tilespmem:s22], [sflag:$0x7], $0x80, s26, s21, $0xb8;
	[tilespmem:$0x1F700] =	vst v63  }
0x46: {  	s12 =	rddreg [dreg:$0x8]  }
0x47: {  	[tilespmem:s28], [sflag:$0x3] =	stream.linear.gather [hbm4b:s12+s3], $0x100, $0x38;
	[tilespmem:$0x1F700] =	vst v63  }
0x48: {  	_ =	swait.ge [sflag:s29], $0x100  }
0x49: {  	[sflag:s29] =	ssyncset.done $0x0  }
0x4a: {  	[sflag:s29] =	ssyncadd.s32 $0xFFFFFF00  }
0x4b: {  	[tilespmem:s30], [sflag:$0x6] =	stream.indirect.gather [hbm4b:s4+s21], $0x80, s28, s21, $0xb8;
	[tilespmem:$0x1F700] =	vst v63  }
0x4c: {  	_ =	swait.ge [sflag:s31], $0x3C00  }
0x4d: {  	[sflag:s31] =	ssyncset.done $0x0  }
0x4e: {  	[sflag:s31] =	ssyncadd.s32 $0xFFFFC400  }
0x4f: {  	[spmem:s2] =	stream.indirect.scatter.add.f32 [tilespmem:s24], [sflag:$0x8], $0x80, s0, s21, $0xb8;
	[tilespmem:$0x1F700] =	vst v63  }
0x50: {  	_ =	swait.ge [sflag:s1], $0x3C00  }
0x51: {  	[sflag:s1] =	ssyncset.done $0x0  }
0x52: {  	s12 =	rddreg [dreg:$0x9];
	[sflag:s1] =	ssyncadd.s32 $0xFFFFC400  }
0x53: {  	[tilespmem:s3], [sflag:$0x1] =	stream.linear.gather [hbm4b:s12+s3], $0x100, $0x38;
	[tilespmem:$0x1F700] =	vst v63  }
0x54: {  	_ =	swait.ge [sflag:s20], $0x100  }
0x55: {  	[sflag:s20] =	ssyncset.done $0x0  }
0x56: {  	[sflag:s20] =	ssyncadd.s32 $0xFFFFFF00  }
0x57: {  	[tilespmem:s22], [sflag:$0x4] =	stream.indirect.gather [hbm4b:s4+s21], $0x80, s3, s21, $0xb8;
	[tilespmem:$0x1F700] =	vst v63  }
0x58: {  	_ =	swait.ge [sflag:s5], $0x3C00  }
0x59: {  	[sflag:s5] =	ssyncset.done $0x0  }
0x5a: {  	[sflag:s5] =	ssyncadd.s32 $0xFFFFC400  }
0x5b: {  	[spmem:s2] =	stream.indirect.scatter.add.f32 [tilespmem:s30], [sflag:$0x9], $0x80, s8, s21, $0xb8;
	[tilespmem:$0x1F700] =	vst v63  }
0x5c: {  	_ =	swait.ge [sflag:s9], $0x3C00  }
0x5d: {  	[sflag:s9] =	ssyncset.done $0x0  }
0x5e: {  	[sflag:s9] =	ssyncadd.s32 $0xFFFFC400  }
0x5f: {  	[tilespmem:s19], [sflag:$0x2] =	stream.linear.gather [hbm4b:s13+s3], $0x100, $0x38;
	[tilespmem:$0x1F700] =	vst v63  }
0x60: {  	_ =	swait.ge [sflag:s23], $0x100  }
0x61: {  	[sflag:s23] =	ssyncset.done $0x0  }
0x62: {  	s11 =	simm.s32 $0x0;
	[sflag:s23] =	ssyncadd.s32 $0xFFFFFF00  }
0x63: {  	[tilespmem:s24], [sflag:$0x5] =	stream.indirect.gather [hbm4b:s4+s21], $0x80, s19, s21, $0xb8;
	[tilespmem:$0x1F700] =	vst v63  }
.LBB2_2:
0x64: {  	_ =	swait.ge [sflag:s25], $0x3C00  }
0x65: {  	[sflag:s25] =	ssyncset.done $0x0  }
0x66: {  	[sflag:s25] =	ssyncadd.s32 $0xFFFFC400  }
0x67: {  	[spmem:s2] =	stream.indirect.scatter.add.f32 [tilespmem:s22], [sflag:$0x7], $0x80, s26, s21, $0xb8;
	[tilespmem:$0x1F700] =	vst v63  }
0x68: {  	_ =	swait.ge [sflag:s7], $0x3C00  }
0x69: {  	[sflag:s7] =	ssyncset.done $0x0  }
0x6a: {  	s12 =	sadd.s32 s11, s16;
	[sflag:s7] =	ssyncadd.s32 $0xFFFFC400  }
0x6b: {  	[tilespmem:s28], [sflag:$0x3] =	stream.linear.gather [hbm4b:s12+s3], $0x100, $0x38;
	[tilespmem:$0x1F700] =	vst v63  }
0x6c: {  	_ =	swait.ge [sflag:s29], $0x100  }
0x6d: {  	[sflag:s29] =	ssyncset.done $0x0  }
0x6e: {  	[sflag:s29] =	ssyncadd.s32 $0xFFFFFF00  }
0x6f: {  	[tilespmem:s30], [sflag:$0x6] =	stream.indirect.gather [hbm4b:s4+s21], $0x80, s28, s21, $0xb8;
	[tilespmem:$0x1F700] =	vst v63  }
0x70: {  	_ =	swait.ge [sflag:s31], $0x3C00  }
0x71: {  	p0 =	seq.s32 s11, $0x13800;
	[sflag:s31] =	ssyncset.done $0x0  }
.Ltmp2:
0x72: {  	[sflag:s31] =	ssyncadd.s32 $0xFFFFC400;
	(pc) =	sbr.rel @p0 .LBB2_4-.Ltmp2, $4  }
0x73: {  	[spmem:s2] =	stream.indirect.scatter.add.f32 [tilespmem:s24], [sflag:$0x8], $0x80, s0, s21, $0xb8;
	[tilespmem:$0x1F700] =	vst v63  }
0x74: {  	_ =	swait.ge [sflag:s1], $0x3C00  }
0x75: {  	[sflag:s1] =	ssyncset.done $0x0  }
0x76: {  	[sflag:s1] =	ssyncadd.s32 $0xFFFFC400  }
0x77: {  	s12 =	sadd.s32 s11, s15  }
0x78: {  	[tilespmem:s3], [sflag:$0x1] =	stream.linear.gather [hbm4b:s12+s3], $0x100, $0x38;
	[tilespmem:$0x1F700] =	vst v63  }
0x79: {  	_ =	swait.ge [sflag:s20], $0x100  }
0x7a: {  	[sflag:s20] =	ssyncset.done $0x0  }
0x7b: {  	[sflag:s20] =	ssyncadd.s32 $0xFFFFFF00  }
0x7c: {  	[tilespmem:s22], [sflag:$0x4] =	stream.indirect.gather [hbm4b:s4+s21], $0x80, s3, s21, $0xb8;
	[tilespmem:$0x1F700] =	vst v63  }
0x7d: {  	_ =	swait.ge [sflag:s5], $0x3C00  }
0x7e: {  	[sflag:s5] =	ssyncset.done $0x0  }
0x7f: {  	[sflag:s5] =	ssyncadd.s32 $0xFFFFC400  }
0x80: {  	[spmem:s2] =	stream.indirect.scatter.add.f32 [tilespmem:s30], [sflag:$0x9], $0x80, s8, s21, $0xb8;
	[tilespmem:$0x1F700] =	vst v63  }
0x81: {  	_ =	swait.ge [sflag:s9], $0x3C00  }
0x82: {  	[sflag:s9] =	ssyncset.done $0x0  }
0x83: {  	s12 =	sadd.s32 s11, s14;
	[sflag:s9] =	ssyncadd.s32 $0xFFFFC400  }
0x84: {  	[tilespmem:s19], [sflag:$0x2] =	stream.linear.gather [hbm4b:s12+s3], $0x100, $0x38;
	[tilespmem:$0x1F700] =	vst v63  }
.Ltmp3:
0x85: {  	_ = 	snop;
	(pc) =	sbr.rel .LBB2_2-.Ltmp3, $4  }
0x86: {  	_ =	swait.ge [sflag:s23], $0x100  }
0x87: {  	[sflag:s23] =	ssyncset.done $0x0  }
0x88: {  	s11 =	sadd.s32 $0xC00, s11;
	[sflag:s23] =	ssyncadd.s32 $0xFFFFFF00  }
0x89: {  	[tilespmem:s24], [sflag:$0x5] =	stream.indirect.gather [hbm4b:s4+s21], $0x80, s19, s21, $0xb8;
	[tilespmem:$0x1F700] =	vst v63  }
.LBB2_5:
0x8a: {  	_ =	sfence.sel $0x180000  }
0x8b: {  	[bflag:$0x0] =	sbarrier.arrive $0xFFFF  }
0x8c: {  	_ =	strace $0x90000047  }
0x8d: {  	s0 =	stileid.u32;
	[bflag:$0x2] =	sbarrier.arrive $0xFFFF  }
0x8e: {  	p0 =	sne.s32 s0, $0x0;
	s0 =	rddreg [dreg:$0x2]  }
0x8f: {  	s0 =	sadd.s32 @!p0 $0x100000, s0  }
0x90: {  	[sflag:s0] =	ssyncadd.tile.s32 @!p0 $0x1;
	_ =	shalt  }
.Lfunc_end2:
_tile_overlayer_lowered:
.L_overlay_start_2:
0x91: {  	(tag) =	ssettag $0x2  }
0x92: {  	s0 =	rddreg [dreg:$0x0];
	s2 =	stileid.u32  }
0x93: {  	s1 =	rddreg [dreg:$0x1];
	p0 =	sne.s32 s2, $0x0  }
0x94: {  	s3 =	rddreg [dreg:$0x2];
	[bflag:$0x3] =	sbarrier.arrive $0xFFFF;
	s2 =	simm.s32 @!p0 $0x1C0A  }
0x95: {  	[timem:s3], [sflag:s2] =	dma.local @!p0 [hbm:s0], s1  }
0x96: {  	s0 =	simm.s32 @!p0 $0xA  }
0x97: {  	_ =	swait.ge @!p0 [sflag:s0], s1  }
0x98: {  	s1 =	ssub.s32 @!p0 $0x0, s1;
	[sflag:s0] =	ssyncset.done @!p0 $0x0  }
0x99: {  	[sflag:s0] =	ssyncadd.s32 @!p0 s1  }
0x9a: {  	[bflag:$0x3] =	sbarrier.arrive $0xFFFF  }
0x9b: {  	_ =	shalt  }

</sc_bundles>
